<compile_context>
chip_gen: v7x
topology: tpu7x:2x2x1
jax: 0.10.2.dev20260603
libtpu: 0.0.44.dev20260713+nightly
codegen_flags: <defaults>
</compile_context>

<pallas_src>
import jax
import jax.numpy as jnp
from jax import lax
from jax.experimental import pallas as pl
from jax.experimental.pallas import tpu as pltpu
from jax.experimental.pallas import tpu_sc as plsc

D_MODEL = 768
N_EXPERTS = 64
N_TOKENS = 2048
ROW_TILE = 64
N_BUF = 2560
PAD = 8
TOK_PER_W = 64
RBLK = 128


def _router_body(x_ref, wr_ref, br_ref, logits_ref, w_ref, pos_ref, offs_ref):
    x = x_ref[...]
    logits = lax.dot_general(
        x, wr_ref[...], (((1,), (1,)), ((), ())),
        preferred_element_type=jnp.float32) + br_ref[...]
    logits_ref[...] = logits
    m = jnp.max(logits, axis=1, keepdims=True)
    p = jnp.exp(logits - m)
    s = jnp.sum(p, axis=1, keepdims=True)
    w_ref[...] = 1.0 / s
    lane = lax.broadcasted_iota(jnp.int32, (N_TOKENS, N_EXPERTS), 1)
    cand = jnp.where(logits == m, lane, N_EXPERTS)
    idx = jnp.min(cand, axis=1, keepdims=True)
    onehot = (lane == idx).astype(jnp.float32)
    cnt = jnp.sum(onehot, axis=0, keepdims=True)
    padded = ((cnt.astype(jnp.int32) + (PAD - 1)) & ~(PAD - 1)).astype(
        jnp.float32)
    row_i = lax.broadcasted_iota(jnp.int32, (N_EXPERTS, 2 * N_EXPERTS), 0)
    col_i = lax.broadcasted_iota(jnp.int32, (N_EXPERTS, 2 * N_EXPERTS), 1)
    tri = (row_i < col_i).astype(jnp.float32)
    offs = lax.dot_general(
        padded, tri, (((1,), (0,)), ((), ())),
        preferred_element_type=jnp.float32)
    offs_ref[...] = offs.astype(jnp.int32)
    ri = lax.broadcasted_iota(jnp.int32, (RBLK, RBLK), 0)
    ci = lax.broadcasted_iota(jnp.int32, (RBLK, RBLK), 1)
    tri_b = (ci < ri).astype(jnp.float32)
    offs64 = offs[:, :N_EXPERTS]
    base = jnp.zeros((1, N_EXPERTS), jnp.float32)
    for t in range(N_TOKENS // RBLK):
        oh_t = onehot[t * RBLK:(t + 1) * RBLK, :]
        within = lax.dot_general(
            tri_b, oh_t, (((1,), (0,)), ((), ())),
            preferred_element_type=jnp.float32)
        pos_t = jnp.sum(oh_t * (within + base + offs64), axis=1,
                        keepdims=True)
        pos_ref[t * RBLK:(t + 1) * RBLK, :] = pos_t.astype(jnp.int32)
        base = base + jnp.sum(oh_t, axis=0, keepdims=True)


def _router(x, Wr, br):
    return pl.pallas_call(
        _router_body,
        out_shape=[
            jax.ShapeDtypeStruct((N_TOKENS, N_EXPERTS), jnp.float32),
            jax.ShapeDtypeStruct((N_TOKENS, 1), jnp.float32),
            jax.ShapeDtypeStruct((N_TOKENS, 1), jnp.int32),
            jax.ShapeDtypeStruct((1, 2 * N_EXPERTS), jnp.int32),
        ],
    )(x, Wr, br.reshape(1, N_EXPERTS))


def _dispatch_body(pos_hbm, w_hbm, x_hbm, ws_hbm, xs_hbm,
                   pos_v, w_v, xrows_v, wbuf_v, semg, sems):
    wid = lax.axis_index("s") * 2 + lax.axis_index("c")
    base = pl.multiple_of(wid * TOK_PER_W, TOK_PER_W)
    pltpu.async_copy(pos_hbm.at[pl.ds(base, TOK_PER_W)], pos_v, semg)
    pltpu.async_copy(w_hbm.at[pl.ds(base, TOK_PER_W)], w_v, semg)
    pltpu.async_copy(x_hbm.at[pl.ds(base, TOK_PER_W)], xrows_v, semg)
    pltpu.make_async_copy(pos_hbm.at[pl.ds(base, TOK_PER_W)], pos_v,
                          semg).wait()
    pltpu.make_async_copy(w_hbm.at[pl.ds(base, TOK_PER_W)], w_v, semg).wait()
    pltpu.make_async_copy(x_hbm.at[pl.ds(base, TOK_PER_W)], xrows_v,
                          semg).wait()
    lanes = lax.iota(jnp.int32, 16)
    zeros = jnp.zeros((16,), jnp.int32)
    for j in range(TOK_PER_W // 16):
        plsc.store_scatter(wbuf_v, [lanes + j * 16, zeros],
                           w_v[pl.ds(j * 16, 16)])
    for j in range(TOK_PER_W // 16):
        posvec = pos_v[pl.ds(j * 16, 16)]
        pltpu.async_copy(xrows_v.at[pl.ds(j * 16, 16)],
                         xs_hbm.at[posvec], sems)
        pltpu.async_copy(wbuf_v.at[pl.ds(j * 16, 16)],
                         ws_hbm.at[posvec], sems)
    for j in range(TOK_PER_W // 16):
        pltpu.make_async_copy(xs_hbm.at[pl.ds(0, 16)],
                              xrows_v.at[pl.ds(0, 16)], sems).wait()
        pltpu.make_async_copy(ws_hbm.at[pl.ds(0, 16)],
                              wbuf_v.at[pl.ds(0, 16)], sems).wait()


def _dispatch(pos, w, x):
    mesh = plsc.VectorSubcoreMesh(core_axis_name="c", subcore_axis_name="s")
    f = pl.kernel(
        _dispatch_body,
        out_type=[
            jax.ShapeDtypeStruct((N_BUF, 128), jnp.float32),
            jax.ShapeDtypeStruct((N_BUF, D_MODEL), jnp.float32),
        ],
        mesh=mesh,
        compiler_params=pltpu.CompilerParams(needs_layout_passes=False),
        scratch_types=[
            pltpu.VMEM((TOK_PER_W,), jnp.int32),
            pltpu.VMEM((TOK_PER_W,), jnp.float32),
            pltpu.VMEM((TOK_PER_W, D_MODEL), jnp.float32),
            pltpu.VMEM((TOK_PER_W, 128), jnp.float32),
            pltpu.SemaphoreType.DMA,
            pltpu.SemaphoreType.DMA,
        ],
    )
    return f(pos, w, x)


XCH = N_BUF // 8


def _expert_body(offs_ref, xs_hbm, ws_ref, w_ref, b_ref, ys_ref,
                 xbuf, semx, dr_ref):
    e = pl.program_id(0)
    start = offs_ref[e]
    stop = offs_ref[e + 1]

    @pl.when(e == 0)
    def _():
        dr_ref[0] = 0
        for j in range(8):
            pltpu.make_async_copy(
                xs_hbm.at[pl.ds(j * XCH, XCH)],
                xbuf.at[pl.ds(j * XCH, XCH)], semx).start()

    need = jnp.where(e == N_EXPERTS - 1, 8,
                     jnp.minimum((stop + ROW_TILE - PAD + XCH - 1) // XCH, 8))
    done = dr_ref[0]

    def drain(r, carry):
        pltpu.make_async_copy(xs_hbm.at[pl.ds(0, XCH)],
                              xbuf.at[pl.ds(0, XCH)], semx).wait()
        return carry

    lax.fori_loop(0, need - done, drain, 0)
    dr_ref[0] = jnp.maximum(need, done)

    n_tiles = (stop - start + ROW_TILE - 1) // ROW_TILE

    def tile(t, carry):
        s = pl.multiple_of(start + t * ROW_TILE, PAD)
        xt = xbuf[pl.ds(s, ROW_TILE), :]
        y = lax.dot_general(
            xt, w_ref[0], (((1,), (1,)), ((), ())),
            preferred_element_type=jnp.float32)
        y = (y + b_ref[0]) * ws_ref[pl.ds(s, ROW_TILE), 0:1]
        ys_ref[pl.ds(s, ROW_TILE), :] = y
        return carry

    lax.fori_loop(0, n_tiles, tile, 0)


def _expert_matmul(offsets, x_sorted, w_sorted, W, b):
    grid_spec = pltpu.PrefetchScalarGridSpec(
        num_scalar_prefetch=1,
        grid=(N_EXPERTS,),
        in_specs=[
            pl.BlockSpec(memory_space=pl.ANY),
            pl.BlockSpec((N_BUF, 128), lambda e, offs: (0, 0)),
            pl.BlockSpec((1, D_MODEL, D_MODEL), lambda e, offs: (e, 0, 0)),
            pl.BlockSpec((1, 1, D_MODEL), lambda e, offs: (e, 0, 0)),
        ],
        out_specs=pl.BlockSpec((N_BUF, D_MODEL), lambda e, offs: (0, 0)),
        scratch_shapes=[
            pltpu.VMEM((N_BUF, D_MODEL), jnp.float32),
            pltpu.SemaphoreType.DMA,
            pltpu.SMEM((1,), jnp.int32),
        ],
    )
    return pl.pallas_call(
        _expert_body,
        grid_spec=grid_spec,
        out_shape=jax.ShapeDtypeStruct((N_BUF, D_MODEL), jnp.float32),
    )(offsets, x_sorted, w_sorted, W, b.reshape(N_EXPERTS, 1, D_MODEL))


def _combine_body(ys_hbm, pos_hbm, out_hbm, pos_v, yrows_v, semg):
    wid = lax.axis_index("s") * 2 + lax.axis_index("c")
    base = pl.multiple_of(wid * TOK_PER_W, TOK_PER_W)
    pltpu.async_copy(pos_hbm.at[pl.ds(base, TOK_PER_W)], pos_v, semg)
    pltpu.make_async_copy(pos_hbm.at[pl.ds(base, TOK_PER_W)], pos_v,
                          semg).wait()
    for j in range(TOK_PER_W // 16):
        posvec = pos_v[pl.ds(j * 16, 16)]
        pltpu.async_copy(ys_hbm.at[posvec],
                         yrows_v.at[pl.ds(j * 16, 16)], semg)
    for j in range(TOK_PER_W // 16):
        pltpu.make_async_copy(ys_hbm.at[pl.ds(0, 16)],
                              yrows_v.at[pl.ds(0, 16)], semg).wait()
    pltpu.sync_copy(yrows_v, out_hbm.at[pl.ds(base, TOK_PER_W)])


def _combine(y_sorted, pos):
    mesh = plsc.VectorSubcoreMesh(core_axis_name="c", subcore_axis_name="s")
    f = pl.kernel(
        _combine_body,
        out_type=jax.ShapeDtypeStruct((N_TOKENS, D_MODEL), jnp.float32),
        mesh=mesh,
        compiler_params=pltpu.CompilerParams(needs_layout_passes=False),
        scratch_types=[
            pltpu.VMEM((TOK_PER_W,), jnp.int32),
            pltpu.VMEM((TOK_PER_W, D_MODEL), jnp.float32),
            pltpu.SemaphoreType.DMA,
        ],
    )
    return f(y_sorted, pos)


def kernel(x, W, b, Wr, br):
    logits, w, pos, offs = _router(x, Wr, br)
    pos_flat = pos.reshape(N_TOKENS)
    offs_flat = offs.reshape(2 * N_EXPERTS)
    w_sorted, x_sorted = _dispatch(pos_flat, w.reshape(N_TOKENS), x)
    y_sorted = _expert_matmul(offs_flat, x_sorted, w_sorted, W, b)
    output = _combine(y_sorted, pos_flat)
    return (output, logits)

# --- scband reference (transcript-rebuilt; emitter-appended) ---
"""Pipeline reference for scband-sparse-mo-eteacher-66022237274194 (READ-ONLY COPY).

The authoritative reference and input builder live on the scoring server;
editing this copy changes nothing except your own understanding.
"""

import jax, jax.numpy as jnp
import numpy as np

D_MODEL = 768
N_EXPERTS = 64
TOP_K = 1
N_TOKENS = 2048


def setup_inputs(seed: int = 0) -> dict:
    key = jax.random.key(seed)
    kx, kw, kb, kwr, kbr = jax.random.split(key, 5)
    x = jax.random.normal(kx, (N_TOKENS, D_MODEL), dtype=jnp.float32)
    # stacked expert linear params: W[e] has shape [out, in] like nn.Linear
    W = jax.random.normal(kw, (N_EXPERTS, D_MODEL, D_MODEL), dtype=jnp.float32) * 0.02
    b = jax.random.normal(kb, (N_EXPERTS, D_MODEL), dtype=jnp.float32) * 0.02
    Wr = jax.random.normal(kwr, (N_EXPERTS, D_MODEL), dtype=jnp.float32) * 0.02
    br = jax.random.normal(kbr, (N_EXPERTS,), dtype=jnp.float32) * 0.02
    return {"x": x, "W": W, "b": b, "Wr": Wr, "br": br}


def reference(x, W, b, Wr, br):
    # router: logits = x @ Wr.T + br
    logits = x @ Wr.T + br  # [N, E]
    probs = jax.nn.softmax(logits, axis=-1)
    weights, indices = jax.lax.top_k(probs, TOP_K)  # [N, k], [N, k]
    # combine gate weights per expert: gate[n, e] = sum_k weights[n,k] * (indices[n,k]==e)
    n = x.shape[0]
    gate = jnp.zeros((n, N_EXPERTS), dtype=x.dtype)
    gate = gate.at[jnp.arange(n)[:, None], indices].add(weights)
    # per-expert outputs: ys[n, e, o] = sum_d x[n,d] * W[e,o,d] + b[e,o]
    ys = jnp.einsum('nd,eod->neo', x, W) + b[None, :, :]
    output = jnp.einsum('ne,neo->no', gate, ys)
    return (output, logits)

if __name__ == "__main__":
    import jax
    _d = setup_inputs()
    print(jax.jit(kernel)(*tuple(_d.values())))

</pallas_src>

<mosaic_0001>
#map = affine_map<(d0, d1) -> (0, 0)>
#map1 = affine_map<(d0, d1) -> (0)>
module attributes {stable_mosaic.version = 14 : i64} {
  func.func @_combine_body(%arg0: i32, %arg1: i32, %arg2: memref<2560x768xf32, #tpu.memory_space<hbm>>, %arg3: memref<2048xi32, #tpu.memory_space<hbm>>, %arg4: memref<2048x768xf32, #tpu.memory_space<hbm>>, %arg5: memref<64xi32, #tpu.memory_space<vmem>>, %arg6: memref<64x768xf32, #tpu.memory_space<vmem>>, %arg7: memref<!tpu.dma_semaphore, #tpu.memory_space<semaphore_mem>>) attributes {dimension_semantics = [#tpu.dimension_semantics<core_parallel>, #tpu.dimension_semantics<subcore_parallel>], iteration_bounds = array<i64: 2, 16>, scalar_prefetch = 0 : i64, scratch_operands = 3 : i64, tpu.core_type = #tpu.core_type<sc_vector_subcore>, window_params = [{transform_indices = #map}, {transform_indices = #map1}, {transform_indices = #map}]} {
    %mul3A = arith.constant 2 : i32
    %mul3A_0 = arith.muli %arg1, %mul3A : i32
    %add3A = arith.addi %mul3A_0, %arg0 : i32
    %mul3A_1 = arith.constant 64 : i32
    %mul3A_2 = arith.muli %add3A, %mul3A_1 : i32
    %multiple_of3A = tpu.assume_multiple %mul3A_2, 64 : i32
    %dma_start3A = tpu.memref_slice %arg3[%multiple_of3A] : memref<2048xi32, #tpu.memory_space<hbm>> -> memref<64xi32, #tpu.memory_space<hbm>>
    %dma_start3A_3 = tpu.memref_slice %arg3[%multiple_of3A] : memref<2048xi32, #tpu.memory_space<hbm>> -> memref<64xi32, #tpu.memory_space<hbm>>
    tpu.enqueue_dma source(%dma_start3A_3 : memref<64xi32, #tpu.memory_space<hbm>>) target(%arg5 : memref<64xi32, #tpu.memory_space<vmem>>) target_semaphore(%arg7 : memref<!tpu.dma_semaphore, #tpu.memory_space<semaphore_mem>>)
    %dma_wait3A = tpu.memref_slice %arg3[%multiple_of3A] : memref<2048xi32, #tpu.memory_space<hbm>> -> memref<64xi32, #tpu.memory_space<hbm>>
    %dma_wait3A_4 = tpu.memref_slice %arg3[%multiple_of3A] : memref<2048xi32, #tpu.memory_space<hbm>> -> memref<64xi32, #tpu.memory_space<hbm>>
    tpu.wait_dma2 semaphore(%arg7 : memref<!tpu.dma_semaphore, #tpu.memory_space<semaphore_mem>>) src(%dma_wait3A_4 : memref<64xi32, #tpu.memory_space<hbm>>) dst(%arg5 : memref<64xi32, #tpu.memory_space<vmem>>)
    %get3A = arith.constant 0 : index
    %get3A_5 = tpu.vector_load %arg5[%get3A] {strides = array<i32>} : memref<64xi32, #tpu.memory_space<vmem>>, vector<16xi32>,
    %dma_start3A_6 = arith.constant 0 : i32
    %dma_start3A_7 = arith.constant 0 : i32
    %dma_start3A_8 = tpu.memref_slice %arg6[%dma_start3A_6, %dma_start3A_7] : memref<64x768xf32, #tpu.memory_space<vmem>> -> memref<16x768xf32, #tpu.memory_space<vmem>>
    %dma_start3A_9 = arith.constant 0 : i32
    %dma_start3A_10 = arith.constant 0 : i32
    %dma_start3A_11 = tpu.memref_slice %arg2[%dma_start3A_9, %dma_start3A_10] : memref<2560x768xf32, #tpu.memory_space<hbm>> -> memref<2560x768xf32, #tpu.memory_space<hbm>>
    tpu.enqueue_indirect_dma source(%dma_start3A_11 : memref<2560x768xf32, #tpu.memory_space<hbm>>) target(%dma_start3A_8 : memref<16x768xf32, #tpu.memory_space<vmem>>) offsets(%get3A_5 : vector<16xi32>) semaphore(%arg7 : memref<!tpu.dma_semaphore, #tpu.memory_space<semaphore_mem>>)
    %get3A_12 = arith.constant 16 : index
    %get3A_13 = tpu.vector_load %arg5[%get3A_12] {strides = array<i32>} : memref<64xi32, #tpu.memory_space<vmem>>, vector<16xi32>,
    %dma_start3A_14 = arith.constant 16 : i32
    %dma_start3A_15 = arith.constant 0 : i32
    %dma_start3A_16 = tpu.memref_slice %arg6[%dma_start3A_14, %dma_start3A_15] : memref<64x768xf32, #tpu.memory_space<vmem>> -> memref<16x768xf32, #tpu.memory_space<vmem>>
    %dma_start3A_17 = arith.constant 0 : i32
    %dma_start3A_18 = arith.constant 0 : i32
    %dma_start3A_19 = tpu.memref_slice %arg2[%dma_start3A_17, %dma_start3A_18] : memref<2560x768xf32, #tpu.memory_space<hbm>> -> memref<2560x768xf32, #tpu.memory_space<hbm>>
    tpu.enqueue_indirect_dma source(%dma_start3A_19 : memref<2560x768xf32, #tpu.memory_space<hbm>>) target(%dma_start3A_16 : memref<16x768xf32, #tpu.memory_space<vmem>>) offsets(%get3A_13 : vector<16xi32>) semaphore(%arg7 : memref<!tpu.dma_semaphore, #tpu.memory_space<semaphore_mem>>)
    %get3A_20 = arith.constant 32 : index
    %get3A_21 = tpu.vector_load %arg5[%get3A_20] {strides = array<i32>} : memref<64xi32, #tpu.memory_space<vmem>>, vector<16xi32>,
    %dma_start3A_22 = arith.constant 32 : i32
    %dma_start3A_23 = arith.constant 0 : i32
    %dma_start3A_24 = tpu.memref_slice %arg6[%dma_start3A_22, %dma_start3A_23] : memref<64x768xf32, #tpu.memory_space<vmem>> -> memref<16x768xf32, #tpu.memory_space<vmem>>
    %dma_start3A_25 = arith.constant 0 : i32
    %dma_start3A_26 = arith.constant 0 : i32
    %dma_start3A_27 = tpu.memref_slice %arg2[%dma_start3A_25, %dma_start3A_26] : memref<2560x768xf32, #tpu.memory_space<hbm>> -> memref<2560x768xf32, #tpu.memory_space<hbm>>
    tpu.enqueue_indirect_dma source(%dma_start3A_27 : memref<2560x768xf32, #tpu.memory_space<hbm>>) target(%dma_start3A_24 : memref<16x768xf32, #tpu.memory_space<vmem>>) offsets(%get3A_21 : vector<16xi32>) semaphore(%arg7 : memref<!tpu.dma_semaphore, #tpu.memory_space<semaphore_mem>>)
    %get3A_28 = arith.constant 48 : index
    %get3A_29 = tpu.vector_load %arg5[%get3A_28] {strides = array<i32>} : memref<64xi32, #tpu.memory_space<vmem>>, vector<16xi32>,
    %dma_start3A_30 = arith.constant 48 : i32
    %dma_start3A_31 = arith.constant 0 : i32
    %dma_start3A_32 = tpu.memref_slice %arg6[%dma_start3A_30, %dma_start3A_31] : memref<64x768xf32, #tpu.memory_space<vmem>> -> memref<16x768xf32, #tpu.memory_space<vmem>>
    %dma_start3A_33 = arith.constant 0 : i32
    %dma_start3A_34 = arith.constant 0 : i32
    %dma_start3A_35 = tpu.memref_slice %arg2[%dma_start3A_33, %dma_start3A_34] : memref<2560x768xf32, #tpu.memory_space<hbm>> -> memref<2560x768xf32, #tpu.memory_space<hbm>>
    tpu.enqueue_indirect_dma source(%dma_start3A_35 : memref<2560x768xf32, #tpu.memory_space<hbm>>) target(%dma_start3A_32 : memref<16x768xf32, #tpu.memory_space<vmem>>) offsets(%get3A_29 : vector<16xi32>) semaphore(%arg7 : memref<!tpu.dma_semaphore, #tpu.memory_space<semaphore_mem>>)
    %dma_wait3A_36 = arith.constant 0 : i32
    %dma_wait3A_37 = arith.constant 0 : i32
    %dma_wait3A_38 = tpu.memref_slice %arg6[%dma_wait3A_36, %dma_wait3A_37] : memref<64x768xf32, #tpu.memory_space<vmem>> -> memref<16x768xf32, #tpu.memory_space<vmem>>
    %dma_wait3A_39 = arith.constant 0 : i32
    %dma_wait3A_40 = arith.constant 0 : i32
    %dma_wait3A_41 = tpu.memref_slice %arg2[%dma_wait3A_39, %dma_wait3A_40] : memref<2560x768xf32, #tpu.memory_space<hbm>> -> memref<16x768xf32, #tpu.memory_space<hbm>>
    %dma_wait3A_42 = arith.constant 0 : i32
    %dma_wait3A_43 = arith.constant 0 : i32
    %dma_wait3A_44 = tpu.memref_slice %arg6[%dma_wait3A_42, %dma_wait3A_43] : memref<64x768xf32, #tpu.memory_space<vmem>> -> memref<16x768xf32, #tpu.memory_space<vmem>>
    %dma_wait3A_45 = arith.constant 0 : i32
    %dma_wait3A_46 = arith.constant 0 : i32
    %dma_wait3A_47 = tpu.memref_slice %arg2[%dma_wait3A_45, %dma_wait3A_46] : memref<2560x768xf32, #tpu.memory_space<hbm>> -> memref<16x768xf32, #tpu.memory_space<hbm>>
    tpu.wait_dma2 semaphore(%arg7 : memref<!tpu.dma_semaphore, #tpu.memory_space<semaphore_mem>>) src(%dma_wait3A_47 : memref<16x768xf32, #tpu.memory_space<hbm>>) dst(%dma_wait3A_44 : memref<16x768xf32, #tpu.memory_space<vmem>>)
    %dma_wait3A_48 = arith.constant 0 : i32
    %dma_wait3A_49 = arith.constant 0 : i32
    %dma_wait3A_50 = tpu.memref_slice %arg6[%dma_wait3A_48, %dma_wait3A_49] : memref<64x768xf32, #tpu.memory_space<vmem>> -> memref<16x768xf32, #tpu.memory_space<vmem>>
    %dma_wait3A_51 = arith.constant 0 : i32
    %dma_wait3A_52 = arith.constant 0 : i32
    %dma_wait3A_53 = tpu.memref_slice %arg2[%dma_wait3A_51, %dma_wait3A_52] : memref<2560x768xf32, #tpu.memory_space<hbm>> -> memref<16x768xf32, #tpu.memory_space<hbm>>
    %dma_wait3A_54 = arith.constant 0 : i32
    %dma_wait3A_55 = arith.constant 0 : i32
    %dma_wait3A_56 = tpu.memref_slice %arg6[%dma_wait3A_54, %dma_wait3A_55] : memref<64x768xf32, #tpu.memory_space<vmem>> -> memref<16x768xf32, #tpu.memory_space<vmem>>
    %dma_wait3A_57 = arith.constant 0 : i32
    %dma_wait3A_58 = arith.constant 0 : i32
    %dma_wait3A_59 = tpu.memref_slice %arg2[%dma_wait3A_57, %dma_wait3A_58] : memref<2560x768xf32, #tpu.memory_space<hbm>> -> memref<16x768xf32, #tpu.memory_space<hbm>>
    tpu.wait_dma2 semaphore(%arg7 : memref<!tpu.dma_semaphore, #tpu.memory_space<semaphore_mem>>) src(%dma_wait3A_59 : memref<16x768xf32, #tpu.memory_space<hbm>>) dst(%dma_wait3A_56 : memref<16x768xf32, #tpu.memory_space<vmem>>)
    %dma_wait3A_60 = arith.constant 0 : i32
    %dma_wait3A_61 = arith.constant 0 : i32
    %dma_wait3A_62 = tpu.memref_slice %arg6[%dma_wait3A_60, %dma_wait3A_61] : memref<64x768xf32, #tpu.memory_space<vmem>> -> memref<16x768xf32, #tpu.memory_space<vmem>>
    %dma_wait3A_63 = arith.constant 0 : i32
    %dma_wait3A_64 = arith.constant 0 : i32
    %dma_wait3A_65 = tpu.memref_slice %arg2[%dma_wait3A_63, %dma_wait3A_64] : memref<2560x768xf32, #tpu.memory_space<hbm>> -> memref<16x768xf32, #tpu.memory_space<hbm>>
    %dma_wait3A_66 = arith.constant 0 : i32
    %dma_wait3A_67 = arith.constant 0 : i32
    %dma_wait3A_68 = tpu.memref_slice %arg6[%dma_wait3A_66, %dma_wait3A_67] : memref<64x768xf32, #tpu.memory_space<vmem>> -> memref<16x768xf32, #tpu.memory_space<vmem>>
    %dma_wait3A_69 = arith.constant 0 : i32
    %dma_wait3A_70 = arith.constant 0 : i32
    %dma_wait3A_71 = tpu.memref_slice %arg2[%dma_wait3A_69, %dma_wait3A_70] : memref<2560x768xf32, #tpu.memory_space<hbm>> -> memref<16x768xf32, #tpu.memory_space<hbm>>
    tpu.wait_dma2 semaphore(%arg7 : memref<!tpu.dma_semaphore, #tpu.memory_space<semaphore_mem>>) src(%dma_wait3A_71 : memref<16x768xf32, #tpu.memory_space<hbm>>) dst(%dma_wait3A_68 : memref<16x768xf32, #tpu.memory_space<vmem>>)
    %dma_wait3A_72 = arith.constant 0 : i32
    %dma_wait3A_73 = arith.constant 0 : i32
    %dma_wait3A_74 = tpu.memref_slice %arg6[%dma_wait3A_72, %dma_wait3A_73] : memref<64x768xf32, #tpu.memory_space<vmem>> -> memref<16x768xf32, #tpu.memory_space<vmem>>
    %dma_wait3A_75 = arith.constant 0 : i32
    %dma_wait3A_76 = arith.constant 0 : i32
    %dma_wait3A_77 = tpu.memref_slice %arg2[%dma_wait3A_75, %dma_wait3A_76] : memref<2560x768xf32, #tpu.memory_space<hbm>> -> memref<16x768xf32, #tpu.memory_space<hbm>>
    %dma_wait3A_78 = arith.constant 0 : i32
    %dma_wait3A_79 = arith.constant 0 : i32
    %dma_wait3A_80 = tpu.memref_slice %arg6[%dma_wait3A_78, %dma_wait3A_79] : memref<64x768xf32, #tpu.memory_space<vmem>> -> memref<16x768xf32, #tpu.memory_space<vmem>>
    %dma_wait3A_81 = arith.constant 0 : i32
    %dma_wait3A_82 = arith.constant 0 : i32
    %dma_wait3A_83 = tpu.memref_slice %arg2[%dma_wait3A_81, %dma_wait3A_82] : memref<2560x768xf32, #tpu.memory_space<hbm>> -> memref<16x768xf32, #tpu.memory_space<hbm>>
    tpu.wait_dma2 semaphore(%arg7 : memref<!tpu.dma_semaphore, #tpu.memory_space<semaphore_mem>>) src(%dma_wait3A_83 : memref<16x768xf32, #tpu.memory_space<hbm>>) dst(%dma_wait3A_80 : memref<16x768xf32, #tpu.memory_space<vmem>>)
    "tpu.region"() ({
      %run_scoped3A = tpu.sem_alloc : memref<!tpu.dma_semaphore, #tpu.memory_space<semaphore_mem>>
      %dma_start3A_84 = arith.constant 0 : i32
      %dma_start3A_85 = tpu.memref_slice %arg4[%multiple_of3A, %dma_start3A_84] : memref<2048x768xf32, #tpu.memory_space<hbm>> -> memref<64x768xf32, #tpu.memory_space<hbm>>
      %dma_start3A_86 = arith.constant 0 : i32
      %dma_start3A_87 = tpu.memref_slice %arg4[%multiple_of3A, %dma_start3A_86] : memref<2048x768xf32, #tpu.memory_space<hbm>> -> memref<64x768xf32, #tpu.memory_space<hbm>>
      tpu.enqueue_dma source(%arg6 : memref<64x768xf32, #tpu.memory_space<vmem>>) target(%dma_start3A_87 : memref<64x768xf32, #tpu.memory_space<hbm>>) target_semaphore(%run_scoped3A : memref<!tpu.dma_semaphore, #tpu.memory_space<semaphore_mem>>)
      %dma_wait3A_88 = arith.constant 0 : i32
      %dma_wait3A_89 = tpu.memref_slice %arg4[%multiple_of3A, %dma_wait3A_88] : memref<2048x768xf32, #tpu.memory_space<hbm>> -> memref<64x768xf32, #tpu.memory_space<hbm>>
      %dma_wait3A_90 = arith.constant 0 : i32
      %dma_wait3A_91 = tpu.memref_slice %arg4[%multiple_of3A, %dma_wait3A_90] : memref<2048x768xf32, #tpu.memory_space<hbm>> -> memref<64x768xf32, #tpu.memory_space<hbm>>
      tpu.wait_dma2 semaphore(%run_scoped3A : memref<!tpu.dma_semaphore, #tpu.memory_space<semaphore_mem>>) src(%arg6 : memref<64x768xf32, #tpu.memory_space<vmem>>) dst(%dma_wait3A_91 : memref<64x768xf32, #tpu.memory_space<hbm>>)
      tpu.yield
    }) : () -> ()
    return
  }
}

#map = affine_map<(d0, d1) -> (0)>
#map1 = affine_map<(d0, d1) -> (0, 0)>
module attributes {stable_mosaic.version = 14 : i64} {
  func.func @_dispatch_body(%arg0: i32, %arg1: i32, %arg2: memref<2048xi32, #tpu.memory_space<hbm>>, %arg3: memref<2048xf32, #tpu.memory_space<hbm>>, %arg4: memref<2048x768xf32, #tpu.memory_space<hbm>>, %arg5: memref<2560x128xf32, #tpu.memory_space<hbm>>, %arg6: memref<2560x768xf32, #tpu.memory_space<hbm>>, %arg7: memref<64xi32, #tpu.memory_space<vmem>>, %arg8: memref<64xf32, #tpu.memory_space<vmem>>, %arg9: memref<64x768xf32, #tpu.memory_space<vmem>>, %arg10: memref<64x128xf32, #tpu.memory_space<vmem>>, %arg11: memref<!tpu.dma_semaphore, #tpu.memory_space<semaphore_mem>>, %arg12: memref<!tpu.dma_semaphore, #tpu.memory_space<semaphore_mem>>) attributes {dimension_semantics = [#tpu.dimension_semantics<core_parallel>, #tpu.dimension_semantics<subcore_parallel>], iteration_bounds = array<i64: 2, 16>, scalar_prefetch = 0 : i64, scratch_operands = 6 : i64, tpu.core_type = #tpu.core_type<sc_vector_subcore>, window_params = [{transform_indices = #map}, {transform_indices = #map}, {transform_indices = #map1}, {transform_indices = #map1}, {transform_indices = #map1}]} {
    %mul3A = arith.constant 2 : i32
    %mul3A_0 = arith.muli %arg1, %mul3A : i32
    %add3A = arith.addi %mul3A_0, %arg0 : i32
    %mul3A_1 = arith.constant 64 : i32
    %mul3A_2 = arith.muli %add3A, %mul3A_1 : i32
    %multiple_of3A = tpu.assume_multiple %mul3A_2, 64 : i32
    %dma_start3A = tpu.memref_slice %arg2[%multiple_of3A] : memref<2048xi32, #tpu.memory_space<hbm>> -> memref<64xi32, #tpu.memory_space<hbm>>
    %dma_start3A_3 = tpu.memref_slice %arg2[%multiple_of3A] : memref<2048xi32, #tpu.memory_space<hbm>> -> memref<64xi32, #tpu.memory_space<hbm>>
    tpu.enqueue_dma source(%dma_start3A_3 : memref<64xi32, #tpu.memory_space<hbm>>) target(%arg7 : memref<64xi32, #tpu.memory_space<vmem>>) target_semaphore(%arg11 : memref<!tpu.dma_semaphore, #tpu.memory_space<semaphore_mem>>)
    %dma_start3A_4 = tpu.memref_slice %arg3[%multiple_of3A] : memref<2048xf32, #tpu.memory_space<hbm>> -> memref<64xf32, #tpu.memory_space<hbm>>
    %dma_start3A_5 = tpu.memref_slice %arg3[%multiple_of3A] : memref<2048xf32, #tpu.memory_space<hbm>> -> memref<64xf32, #tpu.memory_space<hbm>>
    tpu.enqueue_dma source(%dma_start3A_5 : memref<64xf32, #tpu.memory_space<hbm>>) target(%arg8 : memref<64xf32, #tpu.memory_space<vmem>>) target_semaphore(%arg11 : memref<!tpu.dma_semaphore, #tpu.memory_space<semaphore_mem>>)
    %dma_start3A_6 = arith.constant 0 : i32
    %dma_start3A_7 = tpu.memref_slice %arg4[%multiple_of3A, %dma_start3A_6] : memref<2048x768xf32, #tpu.memory_space<hbm>> -> memref<64x768xf32, #tpu.memory_space<hbm>>
    %dma_start3A_8 = arith.constant 0 : i32
    %dma_start3A_9 = tpu.memref_slice %arg4[%multiple_of3A, %dma_start3A_8] : memref<2048x768xf32, #tpu.memory_space<hbm>> -> memref<64x768xf32, #tpu.memory_space<hbm>>
    tpu.enqueue_dma source(%dma_start3A_9 : memref<64x768xf32, #tpu.memory_space<hbm>>) target(%arg9 : memref<64x768xf32, #tpu.memory_space<vmem>>) target_semaphore(%arg11 : memref<!tpu.dma_semaphore, #tpu.memory_space<semaphore_mem>>)
    %dma_wait3A = tpu.memref_slice %arg2[%multiple_of3A] : memref<2048xi32, #tpu.memory_space<hbm>> -> memref<64xi32, #tpu.memory_space<hbm>>
    %dma_wait3A_10 = tpu.memref_slice %arg2[%multiple_of3A] : memref<2048xi32, #tpu.memory_space<hbm>> -> memref<64xi32, #tpu.memory_space<hbm>>
    tpu.wait_dma2 semaphore(%arg11 : memref<!tpu.dma_semaphore, #tpu.memory_space<semaphore_mem>>) src(%dma_wait3A_10 : memref<64xi32, #tpu.memory_space<hbm>>) dst(%arg7 : memref<64xi32, #tpu.memory_space<vmem>>)
    %dma_wait3A_11 = tpu.memref_slice %arg3[%multiple_of3A] : memref<2048xf32, #tpu.memory_space<hbm>> -> memref<64xf32, #tpu.memory_space<hbm>>
    %dma_wait3A_12 = tpu.memref_slice %arg3[%multiple_of3A] : memref<2048xf32, #tpu.memory_space<hbm>> -> memref<64xf32, #tpu.memory_space<hbm>>
    tpu.wait_dma2 semaphore(%arg11 : memref<!tpu.dma_semaphore, #tpu.memory_space<semaphore_mem>>) src(%dma_wait3A_12 : memref<64xf32, #tpu.memory_space<hbm>>) dst(%arg8 : memref<64xf32, #tpu.memory_space<vmem>>)
    %dma_wait3A_13 = arith.constant 0 : i32
    %dma_wait3A_14 = tpu.memref_slice %arg4[%multiple_of3A, %dma_wait3A_13] : memref<2048x768xf32, #tpu.memory_space<hbm>> -> memref<64x768xf32, #tpu.memory_space<hbm>>
    %dma_wait3A_15 = arith.constant 0 : i32
    %dma_wait3A_16 = tpu.memref_slice %arg4[%multiple_of3A, %dma_wait3A_15] : memref<2048x768xf32, #tpu.memory_space<hbm>> -> memref<64x768xf32, #tpu.memory_space<hbm>>
    tpu.wait_dma2 semaphore(%arg11 : memref<!tpu.dma_semaphore, #tpu.memory_space<semaphore_mem>>) src(%dma_wait3A_16 : memref<64x768xf32, #tpu.memory_space<hbm>>) dst(%arg9 : memref<64x768xf32, #tpu.memory_space<vmem>>)
    %iota3A = tpu.iota {dimensions = array<i32: 0>} : vector<16xi32>
    %broadcast_in_dim3A = arith.constant 0 : i32
    %broadcast_in_dim3A_17 = vector.broadcast %broadcast_in_dim3A : i32 to vector<16xi32>
    %add3A_18 = arith.constant 0 : i32
    %add3A_19 = vector.broadcast %add3A_18 : i32 to vector<16xi32>
    %add3A_20 = arith.addi %iota3A, %add3A_19 : vector<16xi32>
    %get3A = arith.constant 0 : index
    %get3A_21 = tpu.vector_load %arg8[%get3A] {strides = array<i32>} : memref<64xf32, #tpu.memory_space<vmem>>, vector<16xf32>,
    tpu.vector_store_idx %arg10[%add3A_20, %broadcast_in_dim3A_17], %get3A_21 : memref<64x128xf32, #tpu.memory_space<vmem>>[vector<16xi32>, vector<16xi32>], vector<16xf32>,
    %add3A_22 = arith.constant 16 : i32
    %add3A_23 = vector.broadcast %add3A_22 : i32 to vector<16xi32>
    %add3A_24 = arith.addi %iota3A, %add3A_23 : vector<16xi32>
    %get3A_25 = arith.constant 16 : index
    %get3A_26 = tpu.vector_load %arg8[%get3A_25] {strides = array<i32>} : memref<64xf32, #tpu.memory_space<vmem>>, vector<16xf32>,
    tpu.vector_store_idx %arg10[%add3A_24, %broadcast_in_dim3A_17], %get3A_26 : memref<64x128xf32, #tpu.memory_space<vmem>>[vector<16xi32>, vector<16xi32>], vector<16xf32>,
    %add3A_27 = arith.constant 32 : i32
    %add3A_28 = vector.broadcast %add3A_27 : i32 to vector<16xi32>
    %add3A_29 = arith.addi %iota3A, %add3A_28 : vector<16xi32>
    %get3A_30 = arith.constant 32 : index
    %get3A_31 = tpu.vector_load %arg8[%get3A_30] {strides = array<i32>} : memref<64xf32, #tpu.memory_space<vmem>>, vector<16xf32>,
    tpu.vector_store_idx %arg10[%add3A_29, %broadcast_in_dim3A_17], %get3A_31 : memref<64x128xf32, #tpu.memory_space<vmem>>[vector<16xi32>, vector<16xi32>], vector<16xf32>,
    %add3A_32 = arith.constant 48 : i32
    %add3A_33 = vector.broadcast %add3A_32 : i32 to vector<16xi32>
    %add3A_34 = arith.addi %iota3A, %add3A_33 : vector<16xi32>
    %get3A_35 = arith.constant 48 : index
    %get3A_36 = tpu.vector_load %arg8[%get3A_35] {strides = array<i32>} : memref<64xf32, #tpu.memory_space<vmem>>, vector<16xf32>,
    tpu.vector_store_idx %arg10[%add3A_34, %broadcast_in_dim3A_17], %get3A_36 : memref<64x128xf32, #tpu.memory_space<vmem>>[vector<16xi32>, vector<16xi32>], vector<16xf32>,
    %get3A_37 = arith.constant 0 : index
    %get3A_38 = tpu.vector_load %arg7[%get3A_37] {strides = array<i32>} : memref<64xi32, #tpu.memory_space<vmem>>, vector<16xi32>,
    %dma_start3A_39 = arith.constant 0 : i32
    %dma_start3A_40 = arith.constant 0 : i32
    %dma_start3A_41 = tpu.memref_slice %arg9[%dma_start3A_39, %dma_start3A_40] : memref<64x768xf32, #tpu.memory_space<vmem>> -> memref<16x768xf32, #tpu.memory_space<vmem>>
    %dma_start3A_42 = arith.constant 0 : i32
    %dma_start3A_43 = arith.constant 0 : i32
    %dma_start3A_44 = tpu.memref_slice %arg6[%dma_start3A_42, %dma_start3A_43] : memref<2560x768xf32, #tpu.memory_space<hbm>> -> memref<2560x768xf32, #tpu.memory_space<hbm>>
    tpu.enqueue_indirect_dma source(%dma_start3A_41 : memref<16x768xf32, #tpu.memory_space<vmem>>) target(%dma_start3A_44 : memref<2560x768xf32, #tpu.memory_space<hbm>>) offsets(%get3A_38 : vector<16xi32>) semaphore(%arg12 : memref<!tpu.dma_semaphore, #tpu.memory_space<semaphore_mem>>)
    %dma_start3A_45 = arith.constant 0 : i32
    %dma_start3A_46 = arith.constant 0 : i32
    %dma_start3A_47 = tpu.memref_slice %arg10[%dma_start3A_45, %dma_start3A_46] : memref<64x128xf32, #tpu.memory_space<vmem>> -> memref<16x128xf32, #tpu.memory_space<vmem>>
    %dma_start3A_48 = arith.constant 0 : i32
    %dma_start3A_49 = arith.constant 0 : i32
    %dma_start3A_50 = tpu.memref_slice %arg5[%dma_start3A_48, %dma_start3A_49] : memref<2560x128xf32, #tpu.memory_space<hbm>> -> memref<2560x128xf32, #tpu.memory_space<hbm>>
    tpu.enqueue_indirect_dma source(%dma_start3A_47 : memref<16x128xf32, #tpu.memory_space<vmem>>) target(%dma_start3A_50 : memref<2560x128xf32, #tpu.memory_space<hbm>>) offsets(%get3A_38 : vector<16xi32>) semaphore(%arg12 : memref<!tpu.dma_semaphore, #tpu.memory_space<semaphore_mem>>)
    %get3A_51 = arith.constant 16 : index
    %get3A_52 = tpu.vector_load %arg7[%get3A_51] {strides = array<i32>} : memref<64xi32, #tpu.memory_space<vmem>>, vector<16xi32>,
    %dma_start3A_53 = arith.constant 16 : i32
    %dma_start3A_54 = arith.constant 0 : i32
    %dma_start3A_55 = tpu.memref_slice %arg9[%dma_start3A_53, %dma_start3A_54] : memref<64x768xf32, #tpu.memory_space<vmem>> -> memref<16x768xf32, #tpu.memory_space<vmem>>
    %dma_start3A_56 = arith.constant 0 : i32
    %dma_start3A_57 = arith.constant 0 : i32
    %dma_start3A_58 = tpu.memref_slice %arg6[%dma_start3A_56, %dma_start3A_57] : memref<2560x768xf32, #tpu.memory_space<hbm>> -> memref<2560x768xf32, #tpu.memory_space<hbm>>
    tpu.enqueue_indirect_dma source(%dma_start3A_55 : memref<16x768xf32, #tpu.memory_space<vmem>>) target(%dma_start3A_58 : memref<2560x768xf32, #tpu.memory_space<hbm>>) offsets(%get3A_52 : vector<16xi32>) semaphore(%arg12 : memref<!tpu.dma_semaphore, #tpu.memory_space<semaphore_mem>>)
    %dma_start3A_59 = arith.constant 16 : i32
    %dma_start3A_60 = arith.constant 0 : i32
    %dma_start3A_61 = tpu.memref_slice %arg10[%dma_start3A_59, %dma_start3A_60] : memref<64x128xf32, #tpu.memory_space<vmem>> -> memref<16x128xf32, #tpu.memory_space<vmem>>
    %dma_start3A_62 = arith.constant 0 : i32
    %dma_start3A_63 = arith.constant 0 : i32
    %dma_start3A_64 = tpu.memref_slice %arg5[%dma_start3A_62, %dma_start3A_63] : memref<2560x128xf32, #tpu.memory_space<hbm>> -> memref<2560x128xf32, #tpu.memory_space<hbm>>
    tpu.enqueue_indirect_dma source(%dma_start3A_61 : memref<16x128xf32, #tpu.memory_space<vmem>>) target(%dma_start3A_64 : memref<2560x128xf32, #tpu.memory_space<hbm>>) offsets(%get3A_52 : vector<16xi32>) semaphore(%arg12 : memref<!tpu.dma_semaphore, #tpu.memory_space<semaphore_mem>>)
    %get3A_65 = arith.constant 32 : index
    %get3A_66 = tpu.vector_load %arg7[%get3A_65] {strides = array<i32>} : memref<64xi32, #tpu.memory_space<vmem>>, vector<16xi32>,
    %dma_start3A_67 = arith.constant 32 : i32
    %dma_start3A_68 = arith.constant 0 : i32
    %dma_start3A_69 = tpu.memref_slice %arg9[%dma_start3A_67, %dma_start3A_68] : memref<64x768xf32, #tpu.memory_space<vmem>> -> memref<16x768xf32, #tpu.memory_space<vmem>>
    %dma_start3A_70 = arith.constant 0 : i32
    %dma_start3A_71 = arith.constant 0 : i32
    %dma_start3A_72 = tpu.memref_slice %arg6[%dma_start3A_70, %dma_start3A_71] : memref<2560x768xf32, #tpu.memory_space<hbm>> -> memref<2560x768xf32, #tpu.memory_space<hbm>>
    tpu.enqueue_indirect_dma source(%dma_start3A_69 : memref<16x768xf32, #tpu.memory_space<vmem>>) target(%dma_start3A_72 : memref<2560x768xf32, #tpu.memory_space<hbm>>) offsets(%get3A_66 : vector<16xi32>) semaphore(%arg12 : memref<!tpu.dma_semaphore, #tpu.memory_space<semaphore_mem>>)
    %dma_start3A_73 = arith.constant 32 : i32
    %dma_start3A_74 = arith.constant 0 : i32
    %dma_start3A_75 = tpu.memref_slice %arg10[%dma_start3A_73, %dma_start3A_74] : memref<64x128xf32, #tpu.memory_space<vmem>> -> memref<16x128xf32, #tpu.memory_space<vmem>>
    %dma_start3A_76 = arith.constant 0 : i32
    %dma_start3A_77 = arith.constant 0 : i32
    %dma_start3A_78 = tpu.memref_slice %arg5[%dma_start3A_76, %dma_start3A_77] : memref<2560x128xf32, #tpu.memory_space<hbm>> -> memref<2560x128xf32, #tpu.memory_space<hbm>>
    tpu.enqueue_indirect_dma source(%dma_start3A_75 : memref<16x128xf32, #tpu.memory_space<vmem>>) target(%dma_start3A_78 : memref<2560x128xf32, #tpu.memory_space<hbm>>) offsets(%get3A_66 : vector<16xi32>) semaphore(%arg12 : memref<!tpu.dma_semaphore, #tpu.memory_space<semaphore_mem>>)
    %get3A_79 = arith.constant 48 : index
    %get3A_80 = tpu.vector_load %arg7[%get3A_79] {strides = array<i32>} : memref<64xi32, #tpu.memory_space<vmem>>, vector<16xi32>,
    %dma_start3A_81 = arith.constant 48 : i32
    %dma_start3A_82 = arith.constant 0 : i32
    %dma_start3A_83 = tpu.memref_slice %arg9[%dma_start3A_81, %dma_start3A_82] : memref<64x768xf32, #tpu.memory_space<vmem>> -> memref<16x768xf32, #tpu.memory_space<vmem>>
    %dma_start3A_84 = arith.constant 0 : i32
    %dma_start3A_85 = arith.constant 0 : i32
    %dma_start3A_86 = tpu.memref_slice %arg6[%dma_start3A_84, %dma_start3A_85] : memref<2560x768xf32, #tpu.memory_space<hbm>> -> memref<2560x768xf32, #tpu.memory_space<hbm>>
    tpu.enqueue_indirect_dma source(%dma_start3A_83 : memref<16x768xf32, #tpu.memory_space<vmem>>) target(%dma_start3A_86 : memref<2560x768xf32, #tpu.memory_space<hbm>>) offsets(%get3A_80 : vector<16xi32>) semaphore(%arg12 : memref<!tpu.dma_semaphore, #tpu.memory_space<semaphore_mem>>)
    %dma_start3A_87 = arith.constant 48 : i32
    %dma_start3A_88 = arith.constant 0 : i32
    %dma_start3A_89 = tpu.memref_slice %arg10[%dma_start3A_87, %dma_start3A_88] : memref<64x128xf32, #tpu.memory_space<vmem>> -> memref<16x128xf32, #tpu.memory_space<vmem>>
    %dma_start3A_90 = arith.constant 0 : i32
    %dma_start3A_91 = arith.constant 0 : i32
    %dma_start3A_92 = tpu.memref_slice %arg5[%dma_start3A_90, %dma_start3A_91] : memref<2560x128xf32, #tpu.memory_space<hbm>> -> memref<2560x128xf32, #tpu.memory_space<hbm>>
    tpu.enqueue_indirect_dma source(%dma_start3A_89 : memref<16x128xf32, #tpu.memory_space<vmem>>) target(%dma_start3A_92 : memref<2560x128xf32, #tpu.memory_space<hbm>>) offsets(%get3A_80 : vector<16xi32>) semaphore(%arg12 : memref<!tpu.dma_semaphore, #tpu.memory_space<semaphore_mem>>)
    %dma_wait3A_93 = arith.constant 0 : i32
    %dma_wait3A_94 = arith.constant 0 : i32
    %dma_wait3A_95 = tpu.memref_slice %arg9[%dma_wait3A_93, %dma_wait3A_94] : memref<64x768xf32, #tpu.memory_space<vmem>> -> memref<16x768xf32, #tpu.memory_space<vmem>>
    %dma_wait3A_96 = arith.constant 0 : i32
    %dma_wait3A_97 = arith.constant 0 : i32
    %dma_wait3A_98 = tpu.memref_slice %arg6[%dma_wait3A_96, %dma_wait3A_97] : memref<2560x768xf32, #tpu.memory_space<hbm>> -> memref<16x768xf32, #tpu.memory_space<hbm>>
    %dma_wait3A_99 = arith.constant 0 : i32
    %dma_wait3A_100 = arith.constant 0 : i32
    %dma_wait3A_101 = tpu.memref_slice %arg9[%dma_wait3A_99, %dma_wait3A_100] : memref<64x768xf32, #tpu.memory_space<vmem>> -> memref<16x768xf32, #tpu.memory_space<vmem>>
    %dma_wait3A_102 = arith.constant 0 : i32
    %dma_wait3A_103 = arith.constant 0 : i32
    %dma_wait3A_104 = tpu.memref_slice %arg6[%dma_wait3A_102, %dma_wait3A_103] : memref<2560x768xf32, #tpu.memory_space<hbm>> -> memref<16x768xf32, #tpu.memory_space<hbm>>
    tpu.wait_dma2 semaphore(%arg12 : memref<!tpu.dma_semaphore, #tpu.memory_space<semaphore_mem>>) src(%dma_wait3A_104 : memref<16x768xf32, #tpu.memory_space<hbm>>) dst(%dma_wait3A_101 : memref<16x768xf32, #tpu.memory_space<vmem>>)
    %dma_wait3A_105 = arith.constant 0 : i32
    %dma_wait3A_106 = arith.constant 0 : i32
    %dma_wait3A_107 = tpu.memref_slice %arg10[%dma_wait3A_105, %dma_wait3A_106] : memref<64x128xf32, #tpu.memory_space<vmem>> -> memref<16x128xf32, #tpu.memory_space<vmem>>
    %dma_wait3A_108 = arith.constant 0 : i32
    %dma_wait3A_109 = arith.constant 0 : i32
    %dma_wait3A_110 = tpu.memref_slice %arg5[%dma_wait3A_108, %dma_wait3A_109] : memref<2560x128xf32, #tpu.memory_space<hbm>> -> memref<16x128xf32, #tpu.memory_space<hbm>>
    %dma_wait3A_111 = arith.constant 0 : i32
    %dma_wait3A_112 = arith.constant 0 : i32
    %dma_wait3A_113 = tpu.memref_slice %arg10[%dma_wait3A_111, %dma_wait3A_112] : memref<64x128xf32, #tpu.memory_space<vmem>> -> memref<16x128xf32, #tpu.memory_space<vmem>>
    %dma_wait3A_114 = arith.constant 0 : i32
    %dma_wait3A_115 = arith.constant 0 : i32
    %dma_wait3A_116 = tpu.memref_slice %arg5[%dma_wait3A_114, %dma_wait3A_115] : memref<2560x128xf32, #tpu.memory_space<hbm>> -> memref<16x128xf32, #tpu.memory_space<hbm>>
    tpu.wait_dma2 semaphore(%arg12 : memref<!tpu.dma_semaphore, #tpu.memory_space<semaphore_mem>>) src(%dma_wait3A_116 : memref<16x128xf32, #tpu.memory_space<hbm>>) dst(%dma_wait3A_113 : memref<16x128xf32, #tpu.memory_space<vmem>>)
    %dma_wait3A_117 = arith.constant 0 : i32
    %dma_wait3A_118 = arith.constant 0 : i32
    %dma_wait3A_119 = tpu.memref_slice %arg9[%dma_wait3A_117, %dma_wait3A_118] : memref<64x768xf32, #tpu.memory_space<vmem>> -> memref<16x768xf32, #tpu.memory_space<vmem>>
    %dma_wait3A_120 = arith.constant 0 : i32
    %dma_wait3A_121 = arith.constant 0 : i32
    %dma_wait3A_122 = tpu.memref_slice %arg6[%dma_wait3A_120, %dma_wait3A_121] : memref<2560x768xf32, #tpu.memory_space<hbm>> -> memref<16x768xf32, #tpu.memory_space<hbm>>
    %dma_wait3A_123 = arith.constant 0 : i32
    %dma_wait3A_124 = arith.constant 0 : i32
    %dma_wait3A_125 = tpu.memref_slice %arg9[%dma_wait3A_123, %dma_wait3A_124] : memref<64x768xf32, #tpu.memory_space<vmem>> -> memref<16x768xf32, #tpu.memory_space<vmem>>
    %dma_wait3A_126 = arith.constant 0 : i32
    %dma_wait3A_127 = arith.constant 0 : i32
    %dma_wait3A_128 = tpu.memref_slice %arg6[%dma_wait3A_126, %dma_wait3A_127] : memref<2560x768xf32, #tpu.memory_space<hbm>> -> memref<16x768xf32, #tpu.memory_space<hbm>>
    tpu.wait_dma2 semaphore(%arg12 : memref<!tpu.dma_semaphore, #tpu.memory_space<semaphore_mem>>) src(%dma_wait3A_128 : memref<16x768xf32, #tpu.memory_space<hbm>>) dst(%dma_wait3A_125 : memref<16x768xf32, #tpu.memory_space<vmem>>)
    %dma_wait3A_129 = arith.constant 0 : i32
    %dma_wait3A_130 = arith.constant 0 : i32
    %dma_wait3A_131 = tpu.memref_slice %arg10[%dma_wait3A_129, %dma_wait3A_130] : memref<64x128xf32, #tpu.memory_space<vmem>> -> memref<16x128xf32, #tpu.memory_space<vmem>>
    %dma_wait3A_132 = arith.constant 0 : i32
    %dma_wait3A_133 = arith.constant 0 : i32
    %dma_wait3A_134 = tpu.memref_slice %arg5[%dma_wait3A_132, %dma_wait3A_133] : memref<2560x128xf32, #tpu.memory_space<hbm>> -> memref<16x128xf32, #tpu.memory_space<hbm>>
    %dma_wait3A_135 = arith.constant 0 : i32
    %dma_wait3A_136 = arith.constant 0 : i32
    %dma_wait3A_137 = tpu.memref_slice %arg10[%dma_wait3A_135, %dma_wait3A_136] : memref<64x128xf32, #tpu.memory_space<vmem>> -> memref<16x128xf32, #tpu.memory_space<vmem>>
    %dma_wait3A_138 = arith.constant 0 : i32
    %dma_wait3A_139 = arith.constant 0 : i32
    %dma_wait3A_140 = tpu.memref_slice %arg5[%dma_wait3A_138, %dma_wait3A_139] : memref<2560x128xf32, #tpu.memory_space<hbm>> -> memref<16x128xf32, #tpu.memory_space<hbm>>
    tpu.wait_dma2 semaphore(%arg12 : memref<!tpu.dma_semaphore, #tpu.memory_space<semaphore_mem>>) src(%dma_wait3A_140 : memref<16x128xf32, #tpu.memory_space<hbm>>) dst(%dma_wait3A_137 : memref<16x128xf32, #tpu.memory_space<vmem>>)
    %dma_wait3A_141 = arith.constant 0 : i32
    %dma_wait3A_142 = arith.constant 0 : i32
    %dma_wait3A_143 = tpu.memref_slice %arg9[%dma_wait3A_141, %dma_wait3A_142] : memref<64x768xf32, #tpu.memory_space<vmem>> -> memref<16x768xf32, #tpu.memory_space<vmem>>
    %dma_wait3A_144 = arith.constant 0 : i32
    %dma_wait3A_145 = arith.constant 0 : i32
    %dma_wait3A_146 = tpu.memref_slice %arg6[%dma_wait3A_144, %dma_wait3A_145] : memref<2560x768xf32, #tpu.memory_space<hbm>> -> memref<16x768xf32, #tpu.memory_space<hbm>>
    %dma_wait3A_147 = arith.constant 0 : i32
    %dma_wait3A_148 = arith.constant 0 : i32
    %dma_wait3A_149 = tpu.memref_slice %arg9[%dma_wait3A_147, %dma_wait3A_148] : memref<64x768xf32, #tpu.memory_space<vmem>> -> memref<16x768xf32, #tpu.memory_space<vmem>>
    %dma_wait3A_150 = arith.constant 0 : i32
    %dma_wait3A_151 = arith.constant 0 : i32
    %dma_wait3A_152 = tpu.memref_slice %arg6[%dma_wait3A_150, %dma_wait3A_151] : memref<2560x768xf32, #tpu.memory_space<hbm>> -> memref<16x768xf32, #tpu.memory_space<hbm>>
    tpu.wait_dma2 semaphore(%arg12 : memref<!tpu.dma_semaphore, #tpu.memory_space<semaphore_mem>>) src(%dma_wait3A_152 : memref<16x768xf32, #tpu.memory_space<hbm>>) dst(%dma_wait3A_149 : memref<16x768xf32, #tpu.memory_space<vmem>>)
    %dma_wait3A_153 = arith.constant 0 : i32
    %dma_wait3A_154 = arith.constant 0 : i32
    %dma_wait3A_155 = tpu.memref_slice %arg10[%dma_wait3A_153, %dma_wait3A_154] : memref<64x128xf32, #tpu.memory_space<vmem>> -> memref<16x128xf32, #tpu.memory_space<vmem>>
    %dma_wait3A_156 = arith.constant 0 : i32
    %dma_wait3A_157 = arith.constant 0 : i32
    %dma_wait3A_158 = tpu.memref_slice %arg5[%dma_wait3A_156, %dma_wait3A_157] : memref<2560x128xf32, #tpu.memory_space<hbm>> -> memref<16x128xf32, #tpu.memory_space<hbm>>
    %dma_wait3A_159 = arith.constant 0 : i32
    %dma_wait3A_160 = arith.constant 0 : i32
    %dma_wait3A_161 = tpu.memref_slice %arg10[%dma_wait3A_159, %dma_wait3A_160] : memref<64x128xf32, #tpu.memory_space<vmem>> -> memref<16x128xf32, #tpu.memory_space<vmem>>
    %dma_wait3A_162 = arith.constant 0 : i32
    %dma_wait3A_163 = arith.constant 0 : i32
    %dma_wait3A_164 = tpu.memref_slice %arg5[%dma_wait3A_162, %dma_wait3A_163] : memref<2560x128xf32, #tpu.memory_space<hbm>> -> memref<16x128xf32, #tpu.memory_space<hbm>>
    tpu.wait_dma2 semaphore(%arg12 : memref<!tpu.dma_semaphore, #tpu.memory_space<semaphore_mem>>) src(%dma_wait3A_164 : memref<16x128xf32, #tpu.memory_space<hbm>>) dst(%dma_wait3A_161 : memref<16x128xf32, #tpu.memory_space<vmem>>)
    %dma_wait3A_165 = arith.constant 0 : i32
    %dma_wait3A_166 = arith.constant 0 : i32
    %dma_wait3A_167 = tpu.memref_slice %arg9[%dma_wait3A_165, %dma_wait3A_166] : memref<64x768xf32, #tpu.memory_space<vmem>> -> memref<16x768xf32, #tpu.memory_space<vmem>>
    %dma_wait3A_168 = arith.constant 0 : i32
    %dma_wait3A_169 = arith.constant 0 : i32
    %dma_wait3A_170 = tpu.memref_slice %arg6[%dma_wait3A_168, %dma_wait3A_169] : memref<2560x768xf32, #tpu.memory_space<hbm>> -> memref<16x768xf32, #tpu.memory_space<hbm>>
    %dma_wait3A_171 = arith.constant 0 : i32
    %dma_wait3A_172 = arith.constant 0 : i32
    %dma_wait3A_173 = tpu.memref_slice %arg9[%dma_wait3A_171, %dma_wait3A_172] : memref<64x768xf32, #tpu.memory_space<vmem>> -> memref<16x768xf32, #tpu.memory_space<vmem>>
    %dma_wait3A_174 = arith.constant 0 : i32
    %dma_wait3A_175 = arith.constant 0 : i32
    %dma_wait3A_176 = tpu.memref_slice %arg6[%dma_wait3A_174, %dma_wait3A_175] : memref<2560x768xf32, #tpu.memory_space<hbm>> -> memref<16x768xf32, #tpu.memory_space<hbm>>
    tpu.wait_dma2 semaphore(%arg12 : memref<!tpu.dma_semaphore, #tpu.memory_space<semaphore_mem>>) src(%dma_wait3A_176 : memref<16x768xf32, #tpu.memory_space<hbm>>) dst(%dma_wait3A_173 : memref<16x768xf32, #tpu.memory_space<vmem>>)
    %dma_wait3A_177 = arith.constant 0 : i32
    %dma_wait3A_178 = arith.constant 0 : i32
    %dma_wait3A_179 = tpu.memref_slice %arg10[%dma_wait3A_177, %dma_wait3A_178] : memref<64x128xf32, #tpu.memory_space<vmem>> -> memref<16x128xf32, #tpu.memory_space<vmem>>
    %dma_wait3A_180 = arith.constant 0 : i32
    %dma_wait3A_181 = arith.constant 0 : i32
    %dma_wait3A_182 = tpu.memref_slice %arg5[%dma_wait3A_180, %dma_wait3A_181] : memref<2560x128xf32, #tpu.memory_space<hbm>> -> memref<16x128xf32, #tpu.memory_space<hbm>>
    %dma_wait3A_183 = arith.constant 0 : i32
    %dma_wait3A_184 = arith.constant 0 : i32
    %dma_wait3A_185 = tpu.memref_slice %arg10[%dma_wait3A_183, %dma_wait3A_184] : memref<64x128xf32, #tpu.memory_space<vmem>> -> memref<16x128xf32, #tpu.memory_space<vmem>>
    %dma_wait3A_186 = arith.constant 0 : i32
    %dma_wait3A_187 = arith.constant 0 : i32
    %dma_wait3A_188 = tpu.memref_slice %arg5[%dma_wait3A_186, %dma_wait3A_187] : memref<2560x128xf32, #tpu.memory_space<hbm>> -> memref<16x128xf32, #tpu.memory_space<hbm>>
    tpu.wait_dma2 semaphore(%arg12 : memref<!tpu.dma_semaphore, #tpu.memory_space<semaphore_mem>>) src(%dma_wait3A_188 : memref<16x128xf32, #tpu.memory_space<hbm>>) dst(%dma_wait3A_185 : memref<16x128xf32, #tpu.memory_space<vmem>>)
    return
  }
}

module attributes {stable_mosaic.version = 14 : i64} {
  func.func @_router_body(%arg0: memref<2048x768xf32, #tpu.memory_space<vmem>>, %arg1: memref<64x768xf32, #tpu.memory_space<vmem>>, %arg2: memref<1x64xf32, #tpu.memory_space<vmem>>, %arg3: memref<2048x64xf32, #tpu.memory_space<vmem>>, %arg4: memref<2048x1xf32, #tpu.memory_space<vmem>>, %arg5: memref<2048x1xi32, #tpu.memory_space<vmem>>, %arg6: memref<1x128xi32, #tpu.memory_space<vmem>>) attributes {dimension_semantics = [], scalar_prefetch = 0 : i64, scratch_operands = 0 : i64, tpu.core_type = #tpu.core_type<tc>} {
    %get3A = arith.constant 0 : index
    %get3A_0 = arith.constant 0 : index
    %get3A_1 = vector.load %arg0[%get3A, %get3A_0] : memref<2048x768xf32, #tpu.memory_space<vmem>>, vector<2048x768xf32>
    %get3A_2 = arith.constant 0 : index
    %get3A_3 = arith.constant 0 : index
    %get3A_4 = vector.load %arg1[%get3A_2, %get3A_3] : memref<64x768xf32, #tpu.memory_space<vmem>>, vector<64x768xf32>
    %dot_general3A = arith.constant dense<0.000000e+00> : vector<2048x64xf32>
    %dot_general3A_5 = tpu.matmul %get3A_1, %get3A_4, %dot_general3A {dimension_numbers = #tpu.dot_dimension_numbers<[1], [1], [0], [0], [0, 0, 1, 0], [], []>, transpose_lhs_hint = false} : vector<2048x768xf32>, vector<64x768xf32>, vector<2048x64xf32> -> vector<2048x64xf32>
    %get3A_6 = arith.constant 0 : index
    %get3A_7 = arith.constant 0 : index
    %get3A_8 = vector.load %arg2[%get3A_6, %get3A_7] : memref<1x64xf32, #tpu.memory_space<vmem>>, vector<1x64xf32>
    %add3A = vector.broadcast %get3A_8 : vector<1x64xf32> to vector<2048x64xf32>
    %add3A_9 = arith.addf %dot_general3A_5, %add3A : vector<2048x64xf32>
    %swap3A = arith.constant 0 : index
    %swap3A_10 = arith.constant 0 : index
    %swap3A_11 = vector.load %arg3[%swap3A, %swap3A_10] : memref<2048x64xf32, #tpu.memory_space<vmem>>, vector<2048x64xf32>
    tpu.vector_store %arg3[%swap3A, %swap3A_10], %add3A_9 {strides = array<i32>} : memref<2048x64xf32, #tpu.memory_space<vmem>>, vector<2048x64xf32>,
    %reduce_max3A = arith.constant dense<0xFF800000> : vector<2048xf32>
    %reduce_max3A_12 = vector.multi_reduction <maximumf>, %add3A_9, %reduce_max3A [1] : vector<2048x64xf32> to vector<2048xf32>
    %broadcast_in_dim3A = vector.shape_cast %reduce_max3A_12 : vector<2048xf32> to vector<2048x1xf32>
    %sub3A = vector.broadcast %broadcast_in_dim3A : vector<2048x1xf32> to vector<2048x64xf32>
    %sub3A_13 = arith.subf %add3A_9, %sub3A : vector<2048x64xf32>
    %exp3A = math.exp %sub3A_13 : vector<2048x64xf32>
    %reduce_sum3A = arith.constant dense<0.000000e+00> : vector<2048xf32>
    %reduce_sum3A_14 = vector.multi_reduction <add>, %exp3A, %reduce_sum3A [1] : vector<2048x64xf32> to vector<2048xf32>
    %broadcast_in_dim3A_15 = vector.shape_cast %reduce_sum3A_14 : vector<2048xf32> to vector<2048x1xf32>
    %div3A = arith.constant 1.000000e+00 : f32
    %div3A_16 = vector.broadcast %div3A : f32 to vector<2048x1xf32>
    %div3A_17 = arith.divf %div3A_16, %broadcast_in_dim3A_15 : vector<2048x1xf32>
    %swap3A_18 = arith.constant 0 : index
    %swap3A_19 = arith.constant 0 : index
    %swap3A_20 = vector.load %arg4[%swap3A_18, %swap3A_19] : memref<2048x1xf32, #tpu.memory_space<vmem>>, vector<2048x1xf32>
    tpu.vector_store %arg4[%swap3A_18, %swap3A_19], %div3A_17 {strides = array<i32>} : memref<2048x1xf32, #tpu.memory_space<vmem>>, vector<2048x1xf32>,
    %iota3A = tpu.iota {dimensions = array<i32: 1>} : vector<2048x64xi32>
    %eq3A = vector.broadcast %broadcast_in_dim3A : vector<2048x1xf32> to vector<2048x64xf32>
    %eq3A_21 = arith.cmpf oeq, %add3A_9, %eq3A : vector<2048x64xf32>
    %jit3A = arith.constant 64 : i32
    %broadcast_in_dim3A_22 = vector.broadcast %jit3A : i32 to vector<2048x64xi32>
    %select_n3A = arith.select %eq3A_21, %iota3A, %broadcast_in_dim3A_22 : vector<2048x64xi1>, vector<2048x64xi32>
    %reduce_min3A = arith.constant dense<2147483647> : vector<2048xi32>
    %reduce_min3A_23 = vector.multi_reduction <minsi>, %select_n3A, %reduce_min3A [1] : vector<2048x64xi32> to vector<2048xi32>
    %broadcast_in_dim3A_24 = vector.shape_cast %reduce_min3A_23 : vector<2048xi32> to vector<2048x1xi32>
    %eq3A_25 = vector.broadcast %broadcast_in_dim3A_24 : vector<2048x1xi32> to vector<2048x64xi32>
    %eq3A_26 = arith.cmpi eq, %iota3A, %eq3A_25 : vector<2048x64xi32>
    %convert_element_type3A = arith.extui %eq3A_26 : vector<2048x64xi1> to vector<2048x64xi32>
    %convert_element_type3A_27 = arith.sitofp %convert_element_type3A : vector<2048x64xi32> to vector<2048x64xf32>
    %reduce_sum3A_28 = arith.constant dense<0.000000e+00> : vector<64xf32>
    %reduce_sum3A_29 = vector.multi_reduction <add>, %convert_element_type3A_27, %reduce_sum3A_28 [0] : vector<2048x64xf32> to vector<64xf32>
    %broadcast_in_dim3A_30 = vector.shape_cast %reduce_sum3A_29 : vector<64xf32> to vector<1x64xf32>
    %convert_element_type3A_31 = arith.fptosi %broadcast_in_dim3A_30 : vector<1x64xf32> to vector<1x64xi32>
    %add3A_32 = arith.constant 7 : i32
    %add3A_33 = vector.broadcast %add3A_32 : i32 to vector<1x64xi32>
    %add3A_34 = arith.addi %convert_element_type3A_31, %add3A_33 : vector<1x64xi32>
    %and3A = arith.constant -8 : i32
    %and3A_35 = vector.broadcast %and3A : i32 to vector<1x64xi32>
    %and3A_36 = arith.andi %add3A_34, %and3A_35 : vector<1x64xi32>
    %convert_element_type3A_37 = arith.sitofp %and3A_36 : vector<1x64xi32> to vector<1x64xf32>
    %iota3A_38 = tpu.iota {dimensions = array<i32: 0>} : vector<64x128xi32>
    %iota3A_39 = tpu.iota {dimensions = array<i32: 1>} : vector<64x128xi32>
    %lt3A = arith.cmpi slt, %iota3A_38, %iota3A_39 : vector<64x128xi32>
    %convert_element_type3A_40 = arith.extui %lt3A : vector<64x128xi1> to vector<64x128xi32>
    %convert_element_type3A_41 = arith.sitofp %convert_element_type3A_40 : vector<64x128xi32> to vector<64x128xf32>
    %dot_general3A_42 = arith.constant dense<0.000000e+00> : vector<1x128xf32>
    %dot_general3A_43 = tpu.matmul %convert_element_type3A_37, %convert_element_type3A_41, %dot_general3A_42 {dimension_numbers = #tpu.dot_dimension_numbers<[1], [0], [0], [1], [0, 0, 1, 1], [], []>, transpose_lhs_hint = false} : vector<1x64xf32>, vector<64x128xf32>, vector<1x128xf32> -> vector<1x128xf32>
    %convert_element_type3A_44 = arith.fptosi %dot_general3A_43 : vector<1x128xf32> to vector<1x128xi32>
    %swap3A_45 = arith.constant 0 : index
    %swap3A_46 = arith.constant 0 : index
    %swap3A_47 = vector.load %arg6[%swap3A_45, %swap3A_46] : memref<1x128xi32, #tpu.memory_space<vmem>>, vector<1x128xi32>
    tpu.vector_store %arg6[%swap3A_45, %swap3A_46], %convert_element_type3A_44 {strides = array<i32>} : memref<1x128xi32, #tpu.memory_space<vmem>>, vector<1x128xi32>,
    %iota3A_48 = tpu.iota {dimensions = array<i32: 0>} : vector<128x128xi32>
    %iota3A_49 = tpu.iota {dimensions = array<i32: 1>} : vector<128x128xi32>
    %lt3A_50 = arith.cmpi slt, %iota3A_49, %iota3A_48 : vector<128x128xi32>
    %convert_element_type3A_51 = arith.extui %lt3A_50 : vector<128x128xi1> to vector<128x128xi32>
    %convert_element_type3A_52 = arith.sitofp %convert_element_type3A_51 : vector<128x128xi32> to vector<128x128xf32>
    %slice3A = vector.extract_strided_slice %dot_general3A_43 {offsets = [0, 0], sizes = [1, 64], strides = [1, 1]} : vector<1x128xf32> to vector<1x64xf32>
    %broadcast_in_dim3A_53 = arith.constant 0.000000e+00 : f32
    %broadcast_in_dim3A_54 = vector.broadcast %broadcast_in_dim3A_53 : f32 to vector<1x64xf32>
    %slice3A_55 = vector.extract_strided_slice %convert_element_type3A_27 {offsets = [0, 0], sizes = [128, 64], strides = [1, 1]} : vector<2048x64xf32> to vector<128x64xf32>
    %dot_general3A_56 = arith.constant dense<0.000000e+00> : vector<128x64xf32>
    %dot_general3A_57 = tpu.matmul %convert_element_type3A_52, %slice3A_55, %dot_general3A_56 {dimension_numbers = #tpu.dot_dimension_numbers<[1], [0], [0], [1], [0, 0, 1, 1], [], []>, transpose_lhs_hint = false} : vector<128x128xf32>, vector<128x64xf32>, vector<128x64xf32> -> vector<128x64xf32>
    %add3A_58 = vector.broadcast %broadcast_in_dim3A_54 : vector<1x64xf32> to vector<128x64xf32>
    %add3A_59 = arith.addf %dot_general3A_57, %add3A_58 : vector<128x64xf32>
    %add3A_60 = vector.broadcast %slice3A : vector<1x64xf32> to vector<128x64xf32>
    %add3A_61 = arith.addf %add3A_59, %add3A_60 : vector<128x64xf32>
    %mul3A = arith.mulf %slice3A_55, %add3A_61 : vector<128x64xf32>
    %reduce_sum3A_62 = arith.constant dense<0.000000e+00> : vector<128xf32>
    %reduce_sum3A_63 = vector.multi_reduction <add>, %mul3A, %reduce_sum3A_62 [1] : vector<128x64xf32> to vector<128xf32>
    %broadcast_in_dim3A_64 = vector.shape_cast %reduce_sum3A_63 : vector<128xf32> to vector<128x1xf32>
    %convert_element_type3A_65 = arith.fptosi %broadcast_in_dim3A_64 : vector<128x1xf32> to vector<128x1xi32>
    %swap3A_66 = arith.constant 0 : index
    %swap3A_67 = arith.constant 0 : index
    %swap3A_68 = vector.load %arg5[%swap3A_66, %swap3A_67] : memref<2048x1xi32, #tpu.memory_space<vmem>>, vector<128x1xi32>
    tpu.vector_store %arg5[%swap3A_66, %swap3A_67], %convert_element_type3A_65 {strides = array<i32>} : memref<2048x1xi32, #tpu.memory_space<vmem>>, vector<128x1xi32>,
    %reduce_sum3A_69 = arith.constant dense<0.000000e+00> : vector<64xf32>
    %reduce_sum3A_70 = vector.multi_reduction <add>, %slice3A_55, %reduce_sum3A_69 [0] : vector<128x64xf32> to vector<64xf32>
    %broadcast_in_dim3A_71 = vector.shape_cast %reduce_sum3A_70 : vector<64xf32> to vector<1x64xf32>
    %add3A_72 = arith.addf %broadcast_in_dim3A_54, %broadcast_in_dim3A_71 : vector<1x64xf32>
    %slice3A_73 = vector.extract_strided_slice %convert_element_type3A_27 {offsets = [128, 0], sizes = [128, 64], strides = [1, 1]} : vector<2048x64xf32> to vector<128x64xf32>
    %dot_general3A_74 = arith.constant dense<0.000000e+00> : vector<128x64xf32>
    %dot_general3A_75 = tpu.matmul %convert_element_type3A_52, %slice3A_73, %dot_general3A_74 {dimension_numbers = #tpu.dot_dimension_numbers<[1], [0], [0], [1], [0, 0, 1, 1], [], []>, transpose_lhs_hint = false} : vector<128x128xf32>, vector<128x64xf32>, vector<128x64xf32> -> vector<128x64xf32>
    %add3A_76 = vector.broadcast %add3A_72 : vector<1x64xf32> to vector<128x64xf32>
    %add3A_77 = arith.addf %dot_general3A_75, %add3A_76 : vector<128x64xf32>
    %add3A_78 = vector.broadcast %slice3A : vector<1x64xf32> to vector<128x64xf32>
    %add3A_79 = arith.addf %add3A_77, %add3A_78 : vector<128x64xf32>
    %mul3A_80 = arith.mulf %slice3A_73, %add3A_79 : vector<128x64xf32>
    %reduce_sum3A_81 = arith.constant dense<0.000000e+00> : vector<128xf32>
    %reduce_sum3A_82 = vector.multi_reduction <add>, %mul3A_80, %reduce_sum3A_81 [1] : vector<128x64xf32> to vector<128xf32>
    %broadcast_in_dim3A_83 = vector.shape_cast %reduce_sum3A_82 : vector<128xf32> to vector<128x1xf32>
    %convert_element_type3A_84 = arith.fptosi %broadcast_in_dim3A_83 : vector<128x1xf32> to vector<128x1xi32>
    %swap3A_85 = arith.constant 128 : index
    %swap3A_86 = arith.constant 0 : index
    %swap3A_87 = vector.load %arg5[%swap3A_85, %swap3A_86] : memref<2048x1xi32, #tpu.memory_space<vmem>>, vector<128x1xi32>
    tpu.vector_store %arg5[%swap3A_85, %swap3A_86], %convert_element_type3A_84 {strides = array<i32>} : memref<2048x1xi32, #tpu.memory_space<vmem>>, vector<128x1xi32>,
    %reduce_sum3A_88 = arith.constant dense<0.000000e+00> : vector<64xf32>
    %reduce_sum3A_89 = vector.multi_reduction <add>, %slice3A_73, %reduce_sum3A_88 [0] : vector<128x64xf32> to vector<64xf32>
    %broadcast_in_dim3A_90 = vector.shape_cast %reduce_sum3A_89 : vector<64xf32> to vector<1x64xf32>
    %add3A_91 = arith.addf %add3A_72, %broadcast_in_dim3A_90 : vector<1x64xf32>
    %slice3A_92 = vector.extract_strided_slice %convert_element_type3A_27 {offsets = [256, 0], sizes = [128, 64], strides = [1, 1]} : vector<2048x64xf32> to vector<128x64xf32>
    %dot_general3A_93 = arith.constant dense<0.000000e+00> : vector<128x64xf32>
    %dot_general3A_94 = tpu.matmul %convert_element_type3A_52, %slice3A_92, %dot_general3A_93 {dimension_numbers = #tpu.dot_dimension_numbers<[1], [0], [0], [1], [0, 0, 1, 1], [], []>, transpose_lhs_hint = false} : vector<128x128xf32>, vector<128x64xf32>, vector<128x64xf32> -> vector<128x64xf32>
    %add3A_95 = vector.broadcast %add3A_91 : vector<1x64xf32> to vector<128x64xf32>
    %add3A_96 = arith.addf %dot_general3A_94, %add3A_95 : vector<128x64xf32>
    %add3A_97 = vector.broadcast %slice3A : vector<1x64xf32> to vector<128x64xf32>
    %add3A_98 = arith.addf %add3A_96, %add3A_97 : vector<128x64xf32>
    %mul3A_99 = arith.mulf %slice3A_92, %add3A_98 : vector<128x64xf32>
    %reduce_sum3A_100 = arith.constant dense<0.000000e+00> : vector<128xf32>
    %reduce_sum3A_101 = vector.multi_reduction <add>, %mul3A_99, %reduce_sum3A_100 [1] : vector<128x64xf32> to vector<128xf32>
    %broadcast_in_dim3A_102 = vector.shape_cast %reduce_sum3A_101 : vector<128xf32> to vector<128x1xf32>
    %convert_element_type3A_103 = arith.fptosi %broadcast_in_dim3A_102 : vector<128x1xf32> to vector<128x1xi32>
    %swap3A_104 = arith.constant 256 : index
    %swap3A_105 = arith.constant 0 : index
    %swap3A_106 = vector.load %arg5[%swap3A_104, %swap3A_105] : memref<2048x1xi32, #tpu.memory_space<vmem>>, vector<128x1xi32>
    tpu.vector_store %arg5[%swap3A_104, %swap3A_105], %convert_element_type3A_103 {strides = array<i32>} : memref<2048x1xi32, #tpu.memory_space<vmem>>, vector<128x1xi32>,
    %reduce_sum3A_107 = arith.constant dense<0.000000e+00> : vector<64xf32>
    %reduce_sum3A_108 = vector.multi_reduction <add>, %slice3A_92, %reduce_sum3A_107 [0] : vector<128x64xf32> to vector<64xf32>
    %broadcast_in_dim3A_109 = vector.shape_cast %reduce_sum3A_108 : vector<64xf32> to vector<1x64xf32>
    %add3A_110 = arith.addf %add3A_91, %broadcast_in_dim3A_109 : vector<1x64xf32>
    %slice3A_111 = vector.extract_strided_slice %convert_element_type3A_27 {offsets = [384, 0], sizes = [128, 64], strides = [1, 1]} : vector<2048x64xf32> to vector<128x64xf32>
    %dot_general3A_112 = arith.constant dense<0.000000e+00> : vector<128x64xf32>
    %dot_general3A_113 = tpu.matmul %convert_element_type3A_52, %slice3A_111, %dot_general3A_112 {dimension_numbers = #tpu.dot_dimension_numbers<[1], [0], [0], [1], [0, 0, 1, 1], [], []>, transpose_lhs_hint = false} : vector<128x128xf32>, vector<128x64xf32>, vector<128x64xf32> -> vector<128x64xf32>
    %add3A_114 = vector.broadcast %add3A_110 : vector<1x64xf32> to vector<128x64xf32>
    %add3A_115 = arith.addf %dot_general3A_113, %add3A_114 : vector<128x64xf32>
    %add3A_116 = vector.broadcast %slice3A : vector<1x64xf32> to vector<128x64xf32>
    %add3A_117 = arith.addf %add3A_115, %add3A_116 : vector<128x64xf32>
    %mul3A_118 = arith.mulf %slice3A_111, %add3A_117 : vector<128x64xf32>
    %reduce_sum3A_119 = arith.constant dense<0.000000e+00> : vector<128xf32>
    %reduce_sum3A_120 = vector.multi_reduction <add>, %mul3A_118, %reduce_sum3A_119 [1] : vector<128x64xf32> to vector<128xf32>
    %broadcast_in_dim3A_121 = vector.shape_cast %reduce_sum3A_120 : vector<128xf32> to vector<128x1xf32>
    %convert_element_type3A_122 = arith.fptosi %broadcast_in_dim3A_121 : vector<128x1xf32> to vector<128x1xi32>
    %swap3A_123 = arith.constant 384 : index
    %swap3A_124 = arith.constant 0 : index
    %swap3A_125 = vector.load %arg5[%swap3A_123, %swap3A_124] : memref<2048x1xi32, #tpu.memory_space<vmem>>, vector<128x1xi32>
    tpu.vector_store %arg5[%swap3A_123, %swap3A_124], %convert_element_type3A_122 {strides = array<i32>} : memref<2048x1xi32, #tpu.memory_space<vmem>>, vector<128x1xi32>,
    %reduce_sum3A_126 = arith.constant dense<0.000000e+00> : vector<64xf32>
    %reduce_sum3A_127 = vector.multi_reduction <add>, %slice3A_111, %reduce_sum3A_126 [0] : vector<128x64xf32> to vector<64xf32>
    %broadcast_in_dim3A_128 = vector.shape_cast %reduce_sum3A_127 : vector<64xf32> to vector<1x64xf32>
    %add3A_129 = arith.addf %add3A_110, %broadcast_in_dim3A_128 : vector<1x64xf32>
    %slice3A_130 = vector.extract_strided_slice %convert_element_type3A_27 {offsets = [512, 0], sizes = [128, 64], strides = [1, 1]} : vector<2048x64xf32> to vector<128x64xf32>
    %dot_general3A_131 = arith.constant dense<0.000000e+00> : vector<128x64xf32>
    %dot_general3A_132 = tpu.matmul %convert_element_type3A_52, %slice3A_130, %dot_general3A_131 {dimension_numbers = #tpu.dot_dimension_numbers<[1], [0], [0], [1], [0, 0, 1, 1], [], []>, transpose_lhs_hint = false} : vector<128x128xf32>, vector<128x64xf32>, vector<128x64xf32> -> vector<128x64xf32>
    %add3A_133 = vector.broadcast %add3A_129 : vector<1x64xf32> to vector<128x64xf32>
    %add3A_134 = arith.addf %dot_general3A_132, %add3A_133 : vector<128x64xf32>
    %add3A_135 = vector.broadcast %slice3A : vector<1x64xf32> to vector<128x64xf32>
    %add3A_136 = arith.addf %add3A_134, %add3A_135 : vector<128x64xf32>
    %mul3A_137 = arith.mulf %slice3A_130, %add3A_136 : vector<128x64xf32>
    %reduce_sum3A_138 = arith.constant dense<0.000000e+00> : vector<128xf32>
    %reduce_sum3A_139 = vector.multi_reduction <add>, %mul3A_137, %reduce_sum3A_138 [1] : vector<128x64xf32> to vector<128xf32>
    %broadcast_in_dim3A_140 = vector.shape_cast %reduce_sum3A_139 : vector<128xf32> to vector<128x1xf32>
    %convert_element_type3A_141 = arith.fptosi %broadcast_in_dim3A_140 : vector<128x1xf32> to vector<128x1xi32>
    %swap3A_142 = arith.constant 512 : index
    %swap3A_143 = arith.constant 0 : index
    %swap3A_144 = vector.load %arg5[%swap3A_142, %swap3A_143] : memref<2048x1xi32, #tpu.memory_space<vmem>>, vector<128x1xi32>
    tpu.vector_store %arg5[%swap3A_142, %swap3A_143], %convert_element_type3A_141 {strides = array<i32>} : memref<2048x1xi32, #tpu.memory_space<vmem>>, vector<128x1xi32>,
    %reduce_sum3A_145 = arith.constant dense<0.000000e+00> : vector<64xf32>
    %reduce_sum3A_146 = vector.multi_reduction <add>, %slice3A_130, %reduce_sum3A_145 [0] : vector<128x64xf32> to vector<64xf32>
    %broadcast_in_dim3A_147 = vector.shape_cast %reduce_sum3A_146 : vector<64xf32> to vector<1x64xf32>
    %add3A_148 = arith.addf %add3A_129, %broadcast_in_dim3A_147 : vector<1x64xf32>
    %slice3A_149 = vector.extract_strided_slice %convert_element_type3A_27 {offsets = [640, 0], sizes = [128, 64], strides = [1, 1]} : vector<2048x64xf32> to vector<128x64xf32>
    %dot_general3A_150 = arith.constant dense<0.000000e+00> : vector<128x64xf32>
    %dot_general3A_151 = tpu.matmul %convert_element_type3A_52, %slice3A_149, %dot_general3A_150 {dimension_numbers = #tpu.dot_dimension_numbers<[1], [0], [0], [1], [0, 0, 1, 1], [], []>, transpose_lhs_hint = false} : vector<128x128xf32>, vector<128x64xf32>, vector<128x64xf32> -> vector<128x64xf32>
    %add3A_152 = vector.broadcast %add3A_148 : vector<1x64xf32> to vector<128x64xf32>
    %add3A_153 = arith.addf %dot_general3A_151, %add3A_152 : vector<128x64xf32>
    %add3A_154 = vector.broadcast %slice3A : vector<1x64xf32> to vector<128x64xf32>
    %add3A_155 = arith.addf %add3A_153, %add3A_154 : vector<128x64xf32>
    %mul3A_156 = arith.mulf %slice3A_149, %add3A_155 : vector<128x64xf32>
    %reduce_sum3A_157 = arith.constant dense<0.000000e+00> : vector<128xf32>
    %reduce_sum3A_158 = vector.multi_reduction <add>, %mul3A_156, %reduce_sum3A_157 [1] : vector<128x64xf32> to vector<128xf32>
    %broadcast_in_dim3A_159 = vector.shape_cast %reduce_sum3A_158 : vector<128xf32> to vector<128x1xf32>
    %convert_element_type3A_160 = arith.fptosi %broadcast_in_dim3A_159 : vector<128x1xf32> to vector<128x1xi32>
    %swap3A_161 = arith.constant 640 : index
    %swap3A_162 = arith.constant 0 : index
    %swap3A_163 = vector.load %arg5[%swap3A_161, %swap3A_162] : memref<2048x1xi32, #tpu.memory_space<vmem>>, vector<128x1xi32>
    tpu.vector_store %arg5[%swap3A_161, %swap3A_162], %convert_element_type3A_160 {strides = array<i32>} : memref<2048x1xi32, #tpu.memory_space<vmem>>, vector<128x1xi32>,
    %reduce_sum3A_164 = arith.constant dense<0.000000e+00> : vector<64xf32>
    %reduce_sum3A_165 = vector.multi_reduction <add>, %slice3A_149, %reduce_sum3A_164 [0] : vector<128x64xf32> to vector<64xf32>
    %broadcast_in_dim3A_166 = vector.shape_cast %reduce_sum3A_165 : vector<64xf32> to vector<1x64xf32>
    %add3A_167 = arith.addf %add3A_148, %broadcast_in_dim3A_166 : vector<1x64xf32>
    %slice3A_168 = vector.extract_strided_slice %convert_element_type3A_27 {offsets = [768, 0], sizes = [128, 64], strides = [1, 1]} : vector<2048x64xf32> to vector<128x64xf32>
    %dot_general3A_169 = arith.constant dense<0.000000e+00> : vector<128x64xf32>
    %dot_general3A_170 = tpu.matmul %convert_element_type3A_52, %slice3A_168, %dot_general3A_169 {dimension_numbers = #tpu.dot_dimension_numbers<[1], [0], [0], [1], [0, 0, 1, 1], [], []>, transpose_lhs_hint = false} : vector<128x128xf32>, vector<128x64xf32>, vector<128x64xf32> -> vector<128x64xf32>
    %add3A_171 = vector.broadcast %add3A_167 : vector<1x64xf32> to vector<128x64xf32>
    %add3A_172 = arith.addf %dot_general3A_170, %add3A_171 : vector<128x64xf32>
    %add3A_173 = vector.broadcast %slice3A : vector<1x64xf32> to vector<128x64xf32>
    %add3A_174 = arith.addf %add3A_172, %add3A_173 : vector<128x64xf32>
    %mul3A_175 = arith.mulf %slice3A_168, %add3A_174 : vector<128x64xf32>
    %reduce_sum3A_176 = arith.constant dense<0.000000e+00> : vector<128xf32>
    %reduce_sum3A_177 = vector.multi_reduction <add>, %mul3A_175, %reduce_sum3A_176 [1] : vector<128x64xf32> to vector<128xf32>
    %broadcast_in_dim3A_178 = vector.shape_cast %reduce_sum3A_177 : vector<128xf32> to vector<128x1xf32>
    %convert_element_type3A_179 = arith.fptosi %broadcast_in_dim3A_178 : vector<128x1xf32> to vector<128x1xi32>
    %swap3A_180 = arith.constant 768 : index
    %swap3A_181 = arith.constant 0 : index
    %swap3A_182 = vector.load %arg5[%swap3A_180, %swap3A_181] : memref<2048x1xi32, #tpu.memory_space<vmem>>, vector<128x1xi32>
    tpu.vector_store %arg5[%swap3A_180, %swap3A_181], %convert_element_type3A_179 {strides = array<i32>} : memref<2048x1xi32, #tpu.memory_space<vmem>>, vector<128x1xi32>,
    %reduce_sum3A_183 = arith.constant dense<0.000000e+00> : vector<64xf32>
    %reduce_sum3A_184 = vector.multi_reduction <add>, %slice3A_168, %reduce_sum3A_183 [0] : vector<128x64xf32> to vector<64xf32>
    %broadcast_in_dim3A_185 = vector.shape_cast %reduce_sum3A_184 : vector<64xf32> to vector<1x64xf32>
    %add3A_186 = arith.addf %add3A_167, %broadcast_in_dim3A_185 : vector<1x64xf32>
    %slice3A_187 = vector.extract_strided_slice %convert_element_type3A_27 {offsets = [896, 0], sizes = [128, 64], strides = [1, 1]} : vector<2048x64xf32> to vector<128x64xf32>
    %dot_general3A_188 = arith.constant dense<0.000000e+00> : vector<128x64xf32>
    %dot_general3A_189 = tpu.matmul %convert_element_type3A_52, %slice3A_187, %dot_general3A_188 {dimension_numbers = #tpu.dot_dimension_numbers<[1], [0], [0], [1], [0, 0, 1, 1], [], []>, transpose_lhs_hint = false} : vector<128x128xf32>, vector<128x64xf32>, vector<128x64xf32> -> vector<128x64xf32>
    %add3A_190 = vector.broadcast %add3A_186 : vector<1x64xf32> to vector<128x64xf32>
    %add3A_191 = arith.addf %dot_general3A_189, %add3A_190 : vector<128x64xf32>
    %add3A_192 = vector.broadcast %slice3A : vector<1x64xf32> to vector<128x64xf32>
    %add3A_193 = arith.addf %add3A_191, %add3A_192 : vector<128x64xf32>
    %mul3A_194 = arith.mulf %slice3A_187, %add3A_193 : vector<128x64xf32>
    %reduce_sum3A_195 = arith.constant dense<0.000000e+00> : vector<128xf32>
    %reduce_sum3A_196 = vector.multi_reduction <add>, %mul3A_194, %reduce_sum3A_195 [1] : vector<128x64xf32> to vector<128xf32>
    %broadcast_in_dim3A_197 = vector.shape_cast %reduce_sum3A_196 : vector<128xf32> to vector<128x1xf32>
    %convert_element_type3A_198 = arith.fptosi %broadcast_in_dim3A_197 : vector<128x1xf32> to vector<128x1xi32>
    %swap3A_199 = arith.constant 896 : index
    %swap3A_200 = arith.constant 0 : index
    %swap3A_201 = vector.load %arg5[%swap3A_199, %swap3A_200] : memref<2048x1xi32, #tpu.memory_space<vmem>>, vector<128x1xi32>
    tpu.vector_store %arg5[%swap3A_199, %swap3A_200], %convert_element_type3A_198 {strides = array<i32>} : memref<2048x1xi32, #tpu.memory_space<vmem>>, vector<128x1xi32>,
    %reduce_sum3A_202 = arith.constant dense<0.000000e+00> : vector<64xf32>
    %reduce_sum3A_203 = vector.multi_reduction <add>, %slice3A_187, %reduce_sum3A_202 [0] : vector<128x64xf32> to vector<64xf32>
    %broadcast_in_dim3A_204 = vector.shape_cast %reduce_sum3A_203 : vector<64xf32> to vector<1x64xf32>
    %add3A_205 = arith.addf %add3A_186, %broadcast_in_dim3A_204 : vector<1x64xf32>
    %slice3A_206 = vector.extract_strided_slice %convert_element_type3A_27 {offsets = [1024, 0], sizes = [128, 64], strides = [1, 1]} : vector<2048x64xf32> to vector<128x64xf32>
    %dot_general3A_207 = arith.constant dense<0.000000e+00> : vector<128x64xf32>
    %dot_general3A_208 = tpu.matmul %convert_element_type3A_52, %slice3A_206, %dot_general3A_207 {dimension_numbers = #tpu.dot_dimension_numbers<[1], [0], [0], [1], [0, 0, 1, 1], [], []>, transpose_lhs_hint = false} : vector<128x128xf32>, vector<128x64xf32>, vector<128x64xf32> -> vector<128x64xf32>
    %add3A_209 = vector.broadcast %add3A_205 : vector<1x64xf32> to vector<128x64xf32>
    %add3A_210 = arith.addf %dot_general3A_208, %add3A_209 : vector<128x64xf32>
    %add3A_211 = vector.broadcast %slice3A : vector<1x64xf32> to vector<128x64xf32>
    %add3A_212 = arith.addf %add3A_210, %add3A_211 : vector<128x64xf32>
    %mul3A_213 = arith.mulf %slice3A_206, %add3A_212 : vector<128x64xf32>
    %reduce_sum3A_214 = arith.constant dense<0.000000e+00> : vector<128xf32>
    %reduce_sum3A_215 = vector.multi_reduction <add>, %mul3A_213, %reduce_sum3A_214 [1] : vector<128x64xf32> to vector<128xf32>
    %broadcast_in_dim3A_216 = vector.shape_cast %reduce_sum3A_215 : vector<128xf32> to vector<128x1xf32>
    %convert_element_type3A_217 = arith.fptosi %broadcast_in_dim3A_216 : vector<128x1xf32> to vector<128x1xi32>
    %swap3A_218 = arith.constant 1024 : index
    %swap3A_219 = arith.constant 0 : index
    %swap3A_220 = vector.load %arg5[%swap3A_218, %swap3A_219] : memref<2048x1xi32, #tpu.memory_space<vmem>>, vector<128x1xi32>
    tpu.vector_store %arg5[%swap3A_218, %swap3A_219], %convert_element_type3A_217 {strides = array<i32>} : memref<2048x1xi32, #tpu.memory_space<vmem>>, vector<128x1xi32>,
    %reduce_sum3A_221 = arith.constant dense<0.000000e+00> : vector<64xf32>
    %reduce_sum3A_222 = vector.multi_reduction <add>, %slice3A_206, %reduce_sum3A_221 [0] : vector<128x64xf32> to vector<64xf32>
    %broadcast_in_dim3A_223 = vector.shape_cast %reduce_sum3A_222 : vector<64xf32> to vector<1x64xf32>
    %add3A_224 = arith.addf %add3A_205, %broadcast_in_dim3A_223 : vector<1x64xf32>
    %slice3A_225 = vector.extract_strided_slice %convert_element_type3A_27 {offsets = [1152, 0], sizes = [128, 64], strides = [1, 1]} : vector<2048x64xf32> to vector<128x64xf32>
    %dot_general3A_226 = arith.constant dense<0.000000e+00> : vector<128x64xf32>
    %dot_general3A_227 = tpu.matmul %convert_element_type3A_52, %slice3A_225, %dot_general3A_226 {dimension_numbers = #tpu.dot_dimension_numbers<[1], [0], [0], [1], [0, 0, 1, 1], [], []>, transpose_lhs_hint = false} : vector<128x128xf32>, vector<128x64xf32>, vector<128x64xf32> -> vector<128x64xf32>
    %add3A_228 = vector.broadcast %add3A_224 : vector<1x64xf32> to vector<128x64xf32>
    %add3A_229 = arith.addf %dot_general3A_227, %add3A_228 : vector<128x64xf32>
    %add3A_230 = vector.broadcast %slice3A : vector<1x64xf32> to vector<128x64xf32>
    %add3A_231 = arith.addf %add3A_229, %add3A_230 : vector<128x64xf32>
    %mul3A_232 = arith.mulf %slice3A_225, %add3A_231 : vector<128x64xf32>
    %reduce_sum3A_233 = arith.constant dense<0.000000e+00> : vector<128xf32>
    %reduce_sum3A_234 = vector.multi_reduction <add>, %mul3A_232, %reduce_sum3A_233 [1] : vector<128x64xf32> to vector<128xf32>
    %broadcast_in_dim3A_235 = vector.shape_cast %reduce_sum3A_234 : vector<128xf32> to vector<128x1xf32>
    %convert_element_type3A_236 = arith.fptosi %broadcast_in_dim3A_235 : vector<128x1xf32> to vector<128x1xi32>
    %swap3A_237 = arith.constant 1152 : index
    %swap3A_238 = arith.constant 0 : index
    %swap3A_239 = vector.load %arg5[%swap3A_237, %swap3A_238] : memref<2048x1xi32, #tpu.memory_space<vmem>>, vector<128x1xi32>
    tpu.vector_store %arg5[%swap3A_237, %swap3A_238], %convert_element_type3A_236 {strides = array<i32>} : memref<2048x1xi32, #tpu.memory_space<vmem>>, vector<128x1xi32>,
    %reduce_sum3A_240 = arith.constant dense<0.000000e+00> : vector<64xf32>
    %reduce_sum3A_241 = vector.multi_reduction <add>, %slice3A_225, %reduce_sum3A_240 [0] : vector<128x64xf32> to vector<64xf32>
    %broadcast_in_dim3A_242 = vector.shape_cast %reduce_sum3A_241 : vector<64xf32> to vector<1x64xf32>
    %add3A_243 = arith.addf %add3A_224, %broadcast_in_dim3A_242 : vector<1x64xf32>
    %slice3A_244 = vector.extract_strided_slice %convert_element_type3A_27 {offsets = [1280, 0], sizes = [128, 64], strides = [1, 1]} : vector<2048x64xf32> to vector<128x64xf32>
    %dot_general3A_245 = arith.constant dense<0.000000e+00> : vector<128x64xf32>
    %dot_general3A_246 = tpu.matmul %convert_element_type3A_52, %slice3A_244, %dot_general3A_245 {dimension_numbers = #tpu.dot_dimension_numbers<[1], [0], [0], [1], [0, 0, 1, 1], [], []>, transpose_lhs_hint = false} : vector<128x128xf32>, vector<128x64xf32>, vector<128x64xf32> -> vector<128x64xf32>
    %add3A_247 = vector.broadcast %add3A_243 : vector<1x64xf32> to vector<128x64xf32>
    %add3A_248 = arith.addf %dot_general3A_246, %add3A_247 : vector<128x64xf32>
    %add3A_249 = vector.broadcast %slice3A : vector<1x64xf32> to vector<128x64xf32>
    %add3A_250 = arith.addf %add3A_248, %add3A_249 : vector<128x64xf32>
    %mul3A_251 = arith.mulf %slice3A_244, %add3A_250 : vector<128x64xf32>
    %reduce_sum3A_252 = arith.constant dense<0.000000e+00> : vector<128xf32>
    %reduce_sum3A_253 = vector.multi_reduction <add>, %mul3A_251, %reduce_sum3A_252 [1] : vector<128x64xf32> to vector<128xf32>
    %broadcast_in_dim3A_254 = vector.shape_cast %reduce_sum3A_253 : vector<128xf32> to vector<128x1xf32>
    %convert_element_type3A_255 = arith.fptosi %broadcast_in_dim3A_254 : vector<128x1xf32> to vector<128x1xi32>
    %swap3A_256 = arith.constant 1280 : index
    %swap3A_257 = arith.constant 0 : index
    %swap3A_258 = vector.load %arg5[%swap3A_256, %swap3A_257] : memref<2048x1xi32, #tpu.memory_space<vmem>>, vector<128x1xi32>
    tpu.vector_store %arg5[%swap3A_256, %swap3A_257], %convert_element_type3A_255 {strides = array<i32>} : memref<2048x1xi32, #tpu.memory_space<vmem>>, vector<128x1xi32>,
    %reduce_sum3A_259 = arith.constant dense<0.000000e+00> : vector<64xf32>
    %reduce_sum3A_260 = vector.multi_reduction <add>, %slice3A_244, %reduce_sum3A_259 [0] : vector<128x64xf32> to vector<64xf32>
    %broadcast_in_dim3A_261 = vector.shape_cast %reduce_sum3A_260 : vector<64xf32> to vector<1x64xf32>
    %add3A_262 = arith.addf %add3A_243, %broadcast_in_dim3A_261 : vector<1x64xf32>
    %slice3A_263 = vector.extract_strided_slice %convert_element_type3A_27 {offsets = [1408, 0], sizes = [128, 64], strides = [1, 1]} : vector<2048x64xf32> to vector<128x64xf32>
    %dot_general3A_264 = arith.constant dense<0.000000e+00> : vector<128x64xf32>
    %dot_general3A_265 = tpu.matmul %convert_element_type3A_52, %slice3A_263, %dot_general3A_264 {dimension_numbers = #tpu.dot_dimension_numbers<[1], [0], [0], [1], [0, 0, 1, 1], [], []>, transpose_lhs_hint = false} : vector<128x128xf32>, vector<128x64xf32>, vector<128x64xf32> -> vector<128x64xf32>
    %add3A_266 = vector.broadcast %add3A_262 : vector<1x64xf32> to vector<128x64xf32>
    %add3A_267 = arith.addf %dot_general3A_265, %add3A_266 : vector<128x64xf32>
    %add3A_268 = vector.broadcast %slice3A : vector<1x64xf32> to vector<128x64xf32>
    %add3A_269 = arith.addf %add3A_267, %add3A_268 : vector<128x64xf32>
    %mul3A_270 = arith.mulf %slice3A_263, %add3A_269 : vector<128x64xf32>
    %reduce_sum3A_271 = arith.constant dense<0.000000e+00> : vector<128xf32>
    %reduce_sum3A_272 = vector.multi_reduction <add>, %mul3A_270, %reduce_sum3A_271 [1] : vector<128x64xf32> to vector<128xf32>
    %broadcast_in_dim3A_273 = vector.shape_cast %reduce_sum3A_272 : vector<128xf32> to vector<128x1xf32>
    %convert_element_type3A_274 = arith.fptosi %broadcast_in_dim3A_273 : vector<128x1xf32> to vector<128x1xi32>
    %swap3A_275 = arith.constant 1408 : index
    %swap3A_276 = arith.constant 0 : index
    %swap3A_277 = vector.load %arg5[%swap3A_275, %swap3A_276] : memref<2048x1xi32, #tpu.memory_space<vmem>>, vector<128x1xi32>
    tpu.vector_store %arg5[%swap3A_275, %swap3A_276], %convert_element_type3A_274 {strides = array<i32>} : memref<2048x1xi32, #tpu.memory_space<vmem>>, vector<128x1xi32>,
    %reduce_sum3A_278 = arith.constant dense<0.000000e+00> : vector<64xf32>
    %reduce_sum3A_279 = vector.multi_reduction <add>, %slice3A_263, %reduce_sum3A_278 [0] : vector<128x64xf32> to vector<64xf32>
    %broadcast_in_dim3A_280 = vector.shape_cast %reduce_sum3A_279 : vector<64xf32> to vector<1x64xf32>
    %add3A_281 = arith.addf %add3A_262, %broadcast_in_dim3A_280 : vector<1x64xf32>
    %slice3A_282 = vector.extract_strided_slice %convert_element_type3A_27 {offsets = [1536, 0], sizes = [128, 64], strides = [1, 1]} : vector<2048x64xf32> to vector<128x64xf32>
    %dot_general3A_283 = arith.constant dense<0.000000e+00> : vector<128x64xf32>
    %dot_general3A_284 = tpu.matmul %convert_element_type3A_52, %slice3A_282, %dot_general3A_283 {dimension_numbers = #tpu.dot_dimension_numbers<[1], [0], [0], [1], [0, 0, 1, 1], [], []>, transpose_lhs_hint = false} : vector<128x128xf32>, vector<128x64xf32>, vector<128x64xf32> -> vector<128x64xf32>
    %add3A_285 = vector.broadcast %add3A_281 : vector<1x64xf32> to vector<128x64xf32>
    %add3A_286 = arith.addf %dot_general3A_284, %add3A_285 : vector<128x64xf32>
    %add3A_287 = vector.broadcast %slice3A : vector<1x64xf32> to vector<128x64xf32>
    %add3A_288 = arith.addf %add3A_286, %add3A_287 : vector<128x64xf32>
    %mul3A_289 = arith.mulf %slice3A_282, %add3A_288 : vector<128x64xf32>
    %reduce_sum3A_290 = arith.constant dense<0.000000e+00> : vector<128xf32>
    %reduce_sum3A_291 = vector.multi_reduction <add>, %mul3A_289, %reduce_sum3A_290 [1] : vector<128x64xf32> to vector<128xf32>
    %broadcast_in_dim3A_292 = vector.shape_cast %reduce_sum3A_291 : vector<128xf32> to vector<128x1xf32>
    %convert_element_type3A_293 = arith.fptosi %broadcast_in_dim3A_292 : vector<128x1xf32> to vector<128x1xi32>
    %swap3A_294 = arith.constant 1536 : index
    %swap3A_295 = arith.constant 0 : index
    %swap3A_296 = vector.load %arg5[%swap3A_294, %swap3A_295] : memref<2048x1xi32, #tpu.memory_space<vmem>>, vector<128x1xi32>
    tpu.vector_store %arg5[%swap3A_294, %swap3A_295], %convert_element_type3A_293 {strides = array<i32>} : memref<2048x1xi32, #tpu.memory_space<vmem>>, vector<128x1xi32>,
    %reduce_sum3A_297 = arith.constant dense<0.000000e+00> : vector<64xf32>
    %reduce_sum3A_298 = vector.multi_reduction <add>, %slice3A_282, %reduce_sum3A_297 [0] : vector<128x64xf32> to vector<64xf32>
    %broadcast_in_dim3A_299 = vector.shape_cast %reduce_sum3A_298 : vector<64xf32> to vector<1x64xf32>
    %add3A_300 = arith.addf %add3A_281, %broadcast_in_dim3A_299 : vector<1x64xf32>
    %slice3A_301 = vector.extract_strided_slice %convert_element_type3A_27 {offsets = [1664, 0], sizes = [128, 64], strides = [1, 1]} : vector<2048x64xf32> to vector<128x64xf32>
    %dot_general3A_302 = arith.constant dense<0.000000e+00> : vector<128x64xf32>
    %dot_general3A_303 = tpu.matmul %convert_element_type3A_52, %slice3A_301, %dot_general3A_302 {dimension_numbers = #tpu.dot_dimension_numbers<[1], [0], [0], [1], [0, 0, 1, 1], [], []>, transpose_lhs_hint = false} : vector<128x128xf32>, vector<128x64xf32>, vector<128x64xf32> -> vector<128x64xf32>
    %add3A_304 = vector.broadcast %add3A_300 : vector<1x64xf32> to vector<128x64xf32>
    %add3A_305 = arith.addf %dot_general3A_303, %add3A_304 : vector<128x64xf32>
    %add3A_306 = vector.broadcast %slice3A : vector<1x64xf32> to vector<128x64xf32>
    %add3A_307 = arith.addf %add3A_305, %add3A_306 : vector<128x64xf32>
    %mul3A_308 = arith.mulf %slice3A_301, %add3A_307 : vector<128x64xf32>
    %reduce_sum3A_309 = arith.constant dense<0.000000e+00> : vector<128xf32>
    %reduce_sum3A_310 = vector.multi_reduction <add>, %mul3A_308, %reduce_sum3A_309 [1] : vector<128x64xf32> to vector<128xf32>
    %broadcast_in_dim3A_311 = vector.shape_cast %reduce_sum3A_310 : vector<128xf32> to vector<128x1xf32>
    %convert_element_type3A_312 = arith.fptosi %broadcast_in_dim3A_311 : vector<128x1xf32> to vector<128x1xi32>
    %swap3A_313 = arith.constant 1664 : index
    %swap3A_314 = arith.constant 0 : index
    %swap3A_315 = vector.load %arg5[%swap3A_313, %swap3A_314] : memref<2048x1xi32, #tpu.memory_space<vmem>>, vector<128x1xi32>
    tpu.vector_store %arg5[%swap3A_313, %swap3A_314], %convert_element_type3A_312 {strides = array<i32>} : memref<2048x1xi32, #tpu.memory_space<vmem>>, vector<128x1xi32>,
    %reduce_sum3A_316 = arith.constant dense<0.000000e+00> : vector<64xf32>
    %reduce_sum3A_317 = vector.multi_reduction <add>, %slice3A_301, %reduce_sum3A_316 [0] : vector<128x64xf32> to vector<64xf32>
    %broadcast_in_dim3A_318 = vector.shape_cast %reduce_sum3A_317 : vector<64xf32> to vector<1x64xf32>
    %add3A_319 = arith.addf %add3A_300, %broadcast_in_dim3A_318 : vector<1x64xf32>
    %slice3A_320 = vector.extract_strided_slice %convert_element_type3A_27 {offsets = [1792, 0], sizes = [128, 64], strides = [1, 1]} : vector<2048x64xf32> to vector<128x64xf32>
    %dot_general3A_321 = arith.constant dense<0.000000e+00> : vector<128x64xf32>
    %dot_general3A_322 = tpu.matmul %convert_element_type3A_52, %slice3A_320, %dot_general3A_321 {dimension_numbers = #tpu.dot_dimension_numbers<[1], [0], [0], [1], [0, 0, 1, 1], [], []>, transpose_lhs_hint = false} : vector<128x128xf32>, vector<128x64xf32>, vector<128x64xf32> -> vector<128x64xf32>
    %add3A_323 = vector.broadcast %add3A_319 : vector<1x64xf32> to vector<128x64xf32>
    %add3A_324 = arith.addf %dot_general3A_322, %add3A_323 : vector<128x64xf32>
    %add3A_325 = vector.broadcast %slice3A : vector<1x64xf32> to vector<128x64xf32>
    %add3A_326 = arith.addf %add3A_324, %add3A_325 : vector<128x64xf32>
    %mul3A_327 = arith.mulf %slice3A_320, %add3A_326 : vector<128x64xf32>
    %reduce_sum3A_328 = arith.constant dense<0.000000e+00> : vector<128xf32>
    %reduce_sum3A_329 = vector.multi_reduction <add>, %mul3A_327, %reduce_sum3A_328 [1] : vector<128x64xf32> to vector<128xf32>
    %broadcast_in_dim3A_330 = vector.shape_cast %reduce_sum3A_329 : vector<128xf32> to vector<128x1xf32>
    %convert_element_type3A_331 = arith.fptosi %broadcast_in_dim3A_330 : vector<128x1xf32> to vector<128x1xi32>
    %swap3A_332 = arith.constant 1792 : index
    %swap3A_333 = arith.constant 0 : index
    %swap3A_334 = vector.load %arg5[%swap3A_332, %swap3A_333] : memref<2048x1xi32, #tpu.memory_space<vmem>>, vector<128x1xi32>
    tpu.vector_store %arg5[%swap3A_332, %swap3A_333], %convert_element_type3A_331 {strides = array<i32>} : memref<2048x1xi32, #tpu.memory_space<vmem>>, vector<128x1xi32>,
    %reduce_sum3A_335 = arith.constant dense<0.000000e+00> : vector<64xf32>
    %reduce_sum3A_336 = vector.multi_reduction <add>, %slice3A_320, %reduce_sum3A_335 [0] : vector<128x64xf32> to vector<64xf32>
    %broadcast_in_dim3A_337 = vector.shape_cast %reduce_sum3A_336 : vector<64xf32> to vector<1x64xf32>
    %add3A_338 = arith.addf %add3A_319, %broadcast_in_dim3A_337 : vector<1x64xf32>
    %slice3A_339 = vector.extract_strided_slice %convert_element_type3A_27 {offsets = [1920, 0], sizes = [128, 64], strides = [1, 1]} : vector<2048x64xf32> to vector<128x64xf32>
    %dot_general3A_340 = arith.constant dense<0.000000e+00> : vector<128x64xf32>
    %dot_general3A_341 = tpu.matmul %convert_element_type3A_52, %slice3A_339, %dot_general3A_340 {dimension_numbers = #tpu.dot_dimension_numbers<[1], [0], [0], [1], [0, 0, 1, 1], [], []>, transpose_lhs_hint = false} : vector<128x128xf32>, vector<128x64xf32>, vector<128x64xf32> -> vector<128x64xf32>
    %add3A_342 = vector.broadcast %add3A_338 : vector<1x64xf32> to vector<128x64xf32>
    %add3A_343 = arith.addf %dot_general3A_341, %add3A_342 : vector<128x64xf32>
    %add3A_344 = vector.broadcast %slice3A : vector<1x64xf32> to vector<128x64xf32>
    %add3A_345 = arith.addf %add3A_343, %add3A_344 : vector<128x64xf32>
    %mul3A_346 = arith.mulf %slice3A_339, %add3A_345 : vector<128x64xf32>
    %reduce_sum3A_347 = arith.constant dense<0.000000e+00> : vector<128xf32>
    %reduce_sum3A_348 = vector.multi_reduction <add>, %mul3A_346, %reduce_sum3A_347 [1] : vector<128x64xf32> to vector<128xf32>
    %broadcast_in_dim3A_349 = vector.shape_cast %reduce_sum3A_348 : vector<128xf32> to vector<128x1xf32>
    %convert_element_type3A_350 = arith.fptosi %broadcast_in_dim3A_349 : vector<128x1xf32> to vector<128x1xi32>
    %swap3A_351 = arith.constant 1920 : index
    %swap3A_352 = arith.constant 0 : index
    %swap3A_353 = vector.load %arg5[%swap3A_351, %swap3A_352] : memref<2048x1xi32, #tpu.memory_space<vmem>>, vector<128x1xi32>
    tpu.vector_store %arg5[%swap3A_351, %swap3A_352], %convert_element_type3A_350 {strides = array<i32>} : memref<2048x1xi32, #tpu.memory_space<vmem>>, vector<128x1xi32>,
    return
  }
}

module attributes {stable_mosaic.version = 14 : i64} {
  func.func @_expert_body(%arg0: i32, %arg1: memref<128xi32, #tpu.memory_space<smem>>, %arg2: memref<2560x768xf32, #tpu.memory_space<any>>, %arg3: memref<2560x128xf32, #tpu.memory_space<vmem>>, %arg4: memref<1x768x768xf32, #tpu.memory_space<vmem>>, %arg5: memref<1x1x768xf32, #tpu.memory_space<vmem>>, %arg6: memref<2560x768xf32, #tpu.memory_space<vmem>>, %arg7: memref<2560x768xf32, #tpu.memory_space<vmem>>, %arg8: memref<!tpu.dma_semaphore, #tpu.memory_space<semaphore_mem>>, %arg9: memref<1xi32, #tpu.memory_space<smem>>) attributes {dimension_semantics = [#tpu.dimension_semantics<arbitrary>], iteration_bounds = array<i64: 64>, scalar_prefetch = 1 : i64, scratch_operands = 3 : i64, tpu.core_type = #tpu.core_type<tc>, window_params = [{}, {pipeline_mode = #tpu.pipeline_mode<synchronous>, transform_indices = @transform_1, window_bounds = array<i64: 2560, 128>}, {transform_indices = @transform_2, window_bounds = array<i64: 1, 768, 768>}, {transform_indices = @transform_3, window_bounds = array<i64: 1, 1, 768>}, {pipeline_mode = #tpu.pipeline_mode<synchronous>, transform_indices = @transform_4, window_bounds = array<i64: 2560, 768>}]} {
    %get3A = arith.index_cast %arg0 : i32 to index
    %get3A_0 = memref.load %arg1[%get3A] : memref<128xi32, #tpu.memory_space<smem>>
    %add3A = arith.constant 1 : i32
    %add3A_1 = arith.addi %arg0, %add3A : i32
    %get3A_2 = arith.index_cast %add3A_1 : i32 to index
    %get3A_3 = memref.load %arg1[%get3A_2] : memref<128xi32, #tpu.memory_space<smem>>
    %eq3A = arith.constant 0 : i32
    %eq3A_4 = arith.cmpi eq, %arg0, %eq3A : i32
    %convert_element_type3A = arith.extui %eq3A_4 : i1 to i32
    %cond3A = arith.constant 0 : i32
    %cond3A_5 = arith.cmpi ne, %convert_element_type3A, %cond3A : i32
    scf.if %cond3A_5 {
      %swap3A_87 = arith.constant 0 : i32
      %swap3A_88 = arith.constant 0 : index
      %swap3A_89 = memref.load %arg9[%swap3A_88] : memref<1xi32, #tpu.memory_space<smem>>
      memref.store %swap3A_87, %arg9[%swap3A_88] : memref<1xi32, #tpu.memory_space<smem>>
      %dma_start3A = arith.constant 0 : i32
      %dma_start3A_90 = arith.constant 0 : i32
      %dma_start3A_91 = tpu.memref_slice %arg7[%dma_start3A, %dma_start3A_90] : memref<2560x768xf32, #tpu.memory_space<vmem>> -> memref<320x768xf32, #tpu.memory_space<vmem>>
      %dma_start3A_92 = arith.constant 0 : i32
      %dma_start3A_93 = arith.constant 0 : i32
      %dma_start3A_94 = tpu.memref_slice %arg2[%dma_start3A_92, %dma_start3A_93] : memref<2560x768xf32, #tpu.memory_space<any>> -> memref<320x768xf32, #tpu.memory_space<any>>
      tpu.enqueue_dma source(%dma_start3A_94 : memref<320x768xf32, #tpu.memory_space<any>>) target(%dma_start3A_91 : memref<320x768xf32, #tpu.memory_space<vmem>>) target_semaphore(%arg8 : memref<!tpu.dma_semaphore, #tpu.memory_space<semaphore_mem>>)
      %dma_start3A_95 = arith.constant 320 : i32
      %dma_start3A_96 = arith.constant 0 : i32
      %dma_start3A_97 = tpu.memref_slice %arg7[%dma_start3A_95, %dma_start3A_96] : memref<2560x768xf32, #tpu.memory_space<vmem>> -> memref<320x768xf32, #tpu.memory_space<vmem>>
      %dma_start3A_98 = arith.constant 320 : i32
      %dma_start3A_99 = arith.constant 0 : i32
      %dma_start3A_100 = tpu.memref_slice %arg2[%dma_start3A_98, %dma_start3A_99] : memref<2560x768xf32, #tpu.memory_space<any>> -> memref<320x768xf32, #tpu.memory_space<any>>
      tpu.enqueue_dma source(%dma_start3A_100 : memref<320x768xf32, #tpu.memory_space<any>>) target(%dma_start3A_97 : memref<320x768xf32, #tpu.memory_space<vmem>>) target_semaphore(%arg8 : memref<!tpu.dma_semaphore, #tpu.memory_space<semaphore_mem>>)
      %dma_start3A_101 = arith.constant 640 : i32
      %dma_start3A_102 = arith.constant 0 : i32
      %dma_start3A_103 = tpu.memref_slice %arg7[%dma_start3A_101, %dma_start3A_102] : memref<2560x768xf32, #tpu.memory_space<vmem>> -> memref<320x768xf32, #tpu.memory_space<vmem>>
      %dma_start3A_104 = arith.constant 640 : i32
      %dma_start3A_105 = arith.constant 0 : i32
      %dma_start3A_106 = tpu.memref_slice %arg2[%dma_start3A_104, %dma_start3A_105] : memref<2560x768xf32, #tpu.memory_space<any>> -> memref<320x768xf32, #tpu.memory_space<any>>
      tpu.enqueue_dma source(%dma_start3A_106 : memref<320x768xf32, #tpu.memory_space<any>>) target(%dma_start3A_103 : memref<320x768xf32, #tpu.memory_space<vmem>>) target_semaphore(%arg8 : memref<!tpu.dma_semaphore, #tpu.memory_space<semaphore_mem>>)
      %dma_start3A_107 = arith.constant 960 : i32
      %dma_start3A_108 = arith.constant 0 : i32
      %dma_start3A_109 = tpu.memref_slice %arg7[%dma_start3A_107, %dma_start3A_108] : memref<2560x768xf32, #tpu.memory_space<vmem>> -> memref<320x768xf32, #tpu.memory_space<vmem>>
      %dma_start3A_110 = arith.constant 960 : i32
      %dma_start3A_111 = arith.constant 0 : i32
      %dma_start3A_112 = tpu.memref_slice %arg2[%dma_start3A_110, %dma_start3A_111] : memref<2560x768xf32, #tpu.memory_space<any>> -> memref<320x768xf32, #tpu.memory_space<any>>
      tpu.enqueue_dma source(%dma_start3A_112 : memref<320x768xf32, #tpu.memory_space<any>>) target(%dma_start3A_109 : memref<320x768xf32, #tpu.memory_space<vmem>>) target_semaphore(%arg8 : memref<!tpu.dma_semaphore, #tpu.memory_space<semaphore_mem>>)
      %dma_start3A_113 = arith.constant 1280 : i32
      %dma_start3A_114 = arith.constant 0 : i32
      %dma_start3A_115 = tpu.memref_slice %arg7[%dma_start3A_113, %dma_start3A_114] : memref<2560x768xf32, #tpu.memory_space<vmem>> -> memref<320x768xf32, #tpu.memory_space<vmem>>
      %dma_start3A_116 = arith.constant 1280 : i32
      %dma_start3A_117 = arith.constant 0 : i32
      %dma_start3A_118 = tpu.memref_slice %arg2[%dma_start3A_116, %dma_start3A_117] : memref<2560x768xf32, #tpu.memory_space<any>> -> memref<320x768xf32, #tpu.memory_space<any>>
      tpu.enqueue_dma source(%dma_start3A_118 : memref<320x768xf32, #tpu.memory_space<any>>) target(%dma_start3A_115 : memref<320x768xf32, #tpu.memory_space<vmem>>) target_semaphore(%arg8 : memref<!tpu.dma_semaphore, #tpu.memory_space<semaphore_mem>>)
      %dma_start3A_119 = arith.constant 1600 : i32
      %dma_start3A_120 = arith.constant 0 : i32
      %dma_start3A_121 = tpu.memref_slice %arg7[%dma_start3A_119, %dma_start3A_120] : memref<2560x768xf32, #tpu.memory_space<vmem>> -> memref<320x768xf32, #tpu.memory_space<vmem>>
      %dma_start3A_122 = arith.constant 1600 : i32
      %dma_start3A_123 = arith.constant 0 : i32
      %dma_start3A_124 = tpu.memref_slice %arg2[%dma_start3A_122, %dma_start3A_123] : memref<2560x768xf32, #tpu.memory_space<any>> -> memref<320x768xf32, #tpu.memory_space<any>>
      tpu.enqueue_dma source(%dma_start3A_124 : memref<320x768xf32, #tpu.memory_space<any>>) target(%dma_start3A_121 : memref<320x768xf32, #tpu.memory_space<vmem>>) target_semaphore(%arg8 : memref<!tpu.dma_semaphore, #tpu.memory_space<semaphore_mem>>)
      %dma_start3A_125 = arith.constant 1920 : i32
      %dma_start3A_126 = arith.constant 0 : i32
      %dma_start3A_127 = tpu.memref_slice %arg7[%dma_start3A_125, %dma_start3A_126] : memref<2560x768xf32, #tpu.memory_space<vmem>> -> memref<320x768xf32, #tpu.memory_space<vmem>>
      %dma_start3A_128 = arith.constant 1920 : i32
      %dma_start3A_129 = arith.constant 0 : i32
      %dma_start3A_130 = tpu.memref_slice %arg2[%dma_start3A_128, %dma_start3A_129] : memref<2560x768xf32, #tpu.memory_space<any>> -> memref<320x768xf32, #tpu.memory_space<any>>
      tpu.enqueue_dma source(%dma_start3A_130 : memref<320x768xf32, #tpu.memory_space<any>>) target(%dma_start3A_127 : memref<320x768xf32, #tpu.memory_space<vmem>>) target_semaphore(%arg8 : memref<!tpu.dma_semaphore, #tpu.memory_space<semaphore_mem>>)
      %dma_start3A_131 = arith.constant 2240 : i32
      %dma_start3A_132 = arith.constant 0 : i32
      %dma_start3A_133 = tpu.memref_slice %arg7[%dma_start3A_131, %dma_start3A_132] : memref<2560x768xf32, #tpu.memory_space<vmem>> -> memref<320x768xf32, #tpu.memory_space<vmem>>
      %dma_start3A_134 = arith.constant 2240 : i32
      %dma_start3A_135 = arith.constant 0 : i32
      %dma_start3A_136 = tpu.memref_slice %arg2[%dma_start3A_134, %dma_start3A_135] : memref<2560x768xf32, #tpu.memory_space<any>> -> memref<320x768xf32, #tpu.memory_space<any>>
      tpu.enqueue_dma source(%dma_start3A_136 : memref<320x768xf32, #tpu.memory_space<any>>) target(%dma_start3A_133 : memref<320x768xf32, #tpu.memory_space<vmem>>) target_semaphore(%arg8 : memref<!tpu.dma_semaphore, #tpu.memory_space<semaphore_mem>>)
    } else {
    }
    %eq3A_6 = arith.constant 63 : i32
    %eq3A_7 = arith.cmpi eq, %arg0, %eq3A_6 : i32
    %add3A_8 = arith.constant 64 : i32
    %add3A_9 = arith.addi %get3A_3, %add3A_8 : i32
    %sub3A = arith.constant 8 : i32
    %sub3A_10 = arith.subi %add3A_9, %sub3A : i32
    %add3A_11 = arith.constant 320 : i32
    %add3A_12 = arith.addi %sub3A_10, %add3A_11 : i32
    %sub3A_13 = arith.constant 1 : i32
    %sub3A_14 = arith.subi %add3A_12, %sub3A_13 : i32
    %jit3A = arith.constant 320 : i32
    %div3A = arith.divsi %sub3A_14, %jit3A : i32
    %sign3A = arith.constant 0 : i32
    %sign3A_15 = arith.cmpi sgt, %sub3A_14, %sign3A : i32
    %sign3A_16 = arith.extui %sign3A_15 : i1 to i32
    %sign3A_17 = arith.constant 0 : i32
    %sign3A_18 = arith.cmpi slt, %sub3A_14, %sign3A_17 : i32
    %sign3A_19 = arith.extui %sign3A_18 : i1 to i32
    %sign3A_20 = arith.subi %sign3A_16, %sign3A_19 : i32
    %sign3A_21 = arith.constant 0 : i32
    %sign3A_22 = arith.cmpi sgt, %jit3A, %sign3A_21 : i32
    %sign3A_23 = arith.extui %sign3A_22 : i1 to i32
    %sign3A_24 = arith.constant 0 : i32
    %sign3A_25 = arith.cmpi slt, %jit3A, %sign3A_24 : i32
    %sign3A_26 = arith.extui %sign3A_25 : i1 to i32
    %sign3A_27 = arith.subi %sign3A_23, %sign3A_26 : i32
    %ne3A = arith.cmpi ne, %sign3A_20, %sign3A_27 : i32
    %rem3A = arith.remsi %sub3A_14, %jit3A : i32
    %ne3A_28 = arith.constant 0 : i32
    %ne3A_29 = arith.cmpi ne, %rem3A, %ne3A_28 : i32
    %and3A = arith.andi %ne3A, %ne3A_29 : i1
    %sub3A_30 = arith.constant 1 : i32
    %sub3A_31 = arith.subi %div3A, %sub3A_30 : i32
    %select_n3A = arith.select %and3A, %sub3A_31, %div3A : i32
    %min3A = arith.constant 8 : i32
    %min3A_32 = arith.minsi %select_n3A, %min3A : i32
    %jit3A_33 = arith.constant 8 : i32
    %select_n3A_34 = arith.select %eq3A_7, %jit3A_33, %min3A_32 : i32
    %get3A_35 = arith.constant 0 : index
    %get3A_36 = memref.load %arg9[%get3A_35] : memref<1xi32, #tpu.memory_space<smem>>
    %sub3A_37 = arith.subi %select_n3A_34, %get3A_36 : i32
    %while3A = arith.constant 0 : i32
    %while3A_38 = arith.constant 0 : i32
    %while3A_39 = arith.subi %sub3A_37, %while3A_38 : i32
    %while3A_40 = arith.addi %while3A_38, %while3A_39 : i32
    %while3A_41 = arith.constant 1 : i32
    %while3A_42 = arith.divsi %while3A_39, %while3A_41 : i32
    %while3A_43 = arith.muli %while3A_42, %while3A_41 : i32
    %while3A_44 = arith.addi %while3A_38, %while3A_43 : i32
    %while3A_45 = arith.constant 1 : i32
    scf.for %while3A_87 = %while3A_38 to %while3A_44 step %while3A_45  : i32 {
      %dma_wait3A = arith.constant 0 : i32
      %dma_wait3A_88 = arith.constant 0 : i32
      %dma_wait3A_89 = tpu.memref_slice %arg7[%dma_wait3A, %dma_wait3A_88] : memref<2560x768xf32, #tpu.memory_space<vmem>> -> memref<320x768xf32, #tpu.memory_space<vmem>>
      %dma_wait3A_90 = arith.constant 0 : i32
      %dma_wait3A_91 = arith.constant 0 : i32
      %dma_wait3A_92 = tpu.memref_slice %arg2[%dma_wait3A_90, %dma_wait3A_91] : memref<2560x768xf32, #tpu.memory_space<any>> -> memref<320x768xf32, #tpu.memory_space<any>>
      tpu.wait_dma2 semaphore(%arg8 : memref<!tpu.dma_semaphore, #tpu.memory_space<semaphore_mem>>) src(%dma_wait3A_92 : memref<320x768xf32, #tpu.memory_space<any>>) dst(%dma_wait3A_89 : memref<320x768xf32, #tpu.memory_space<vmem>>)
    }
    %while3A_46 = arith.constant 1 : i32
    scf.for %while3A_87 = %while3A_44 to %while3A_40 step %while3A_46  : i32 {
      %dma_wait3A = arith.constant 0 : i32
      %dma_wait3A_88 = arith.constant 0 : i32
      %dma_wait3A_89 = tpu.memref_slice %arg7[%dma_wait3A, %dma_wait3A_88] : memref<2560x768xf32, #tpu.memory_space<vmem>> -> memref<320x768xf32, #tpu.memory_space<vmem>>
      %dma_wait3A_90 = arith.constant 0 : i32
      %dma_wait3A_91 = arith.constant 0 : i32
      %dma_wait3A_92 = tpu.memref_slice %arg2[%dma_wait3A_90, %dma_wait3A_91] : memref<2560x768xf32, #tpu.memory_space<any>> -> memref<320x768xf32, #tpu.memory_space<any>>
      tpu.wait_dma2 semaphore(%arg8 : memref<!tpu.dma_semaphore, #tpu.memory_space<semaphore_mem>>) src(%dma_wait3A_92 : memref<320x768xf32, #tpu.memory_space<any>>) dst(%dma_wait3A_89 : memref<320x768xf32, #tpu.memory_space<vmem>>)
    }
    %max3A = arith.maxsi %select_n3A_34, %get3A_36 : i32
    %swap3A = arith.constant 0 : index
    %swap3A_47 = memref.load %arg9[%swap3A] : memref<1xi32, #tpu.memory_space<smem>>
    memref.store %max3A, %arg9[%swap3A] : memref<1xi32, #tpu.memory_space<smem>>
    %sub3A_48 = arith.subi %get3A_3, %get3A_0 : i32
    %add3A_49 = arith.constant 64 : i32
    %add3A_50 = arith.addi %sub3A_48, %add3A_49 : i32
    %sub3A_51 = arith.constant 1 : i32
    %sub3A_52 = arith.subi %add3A_50, %sub3A_51 : i32
    %jit3A_53 = arith.constant 64 : i32
    %div3A_54 = arith.divsi %sub3A_52, %jit3A_53 : i32
    %sign3A_55 = arith.constant 0 : i32
    %sign3A_56 = arith.cmpi sgt, %sub3A_52, %sign3A_55 : i32
    %sign3A_57 = arith.extui %sign3A_56 : i1 to i32
    %sign3A_58 = arith.constant 0 : i32
    %sign3A_59 = arith.cmpi slt, %sub3A_52, %sign3A_58 : i32
    %sign3A_60 = arith.extui %sign3A_59 : i1 to i32
    %sign3A_61 = arith.subi %sign3A_57, %sign3A_60 : i32
    %sign3A_62 = arith.constant 0 : i32
    %sign3A_63 = arith.cmpi sgt, %jit3A_53, %sign3A_62 : i32
    %sign3A_64 = arith.extui %sign3A_63 : i1 to i32
    %sign3A_65 = arith.constant 0 : i32
    %sign3A_66 = arith.cmpi slt, %jit3A_53, %sign3A_65 : i32
    %sign3A_67 = arith.extui %sign3A_66 : i1 to i32
    %sign3A_68 = arith.subi %sign3A_64, %sign3A_67 : i32
    %ne3A_69 = arith.cmpi ne, %sign3A_61, %sign3A_68 : i32
    %rem3A_70 = arith.remsi %sub3A_52, %jit3A_53 : i32
    %ne3A_71 = arith.constant 0 : i32
    %ne3A_72 = arith.cmpi ne, %rem3A_70, %ne3A_71 : i32
    %and3A_73 = arith.andi %ne3A_69, %ne3A_72 : i1
    %sub3A_74 = arith.constant 1 : i32
    %sub3A_75 = arith.subi %div3A_54, %sub3A_74 : i32
    %select_n3A_76 = arith.select %and3A_73, %sub3A_75, %div3A_54 : i32
    %while3A_77 = arith.constant 0 : i32
    %while3A_78 = arith.constant 0 : i32
    %while3A_79 = arith.subi %select_n3A_76, %while3A_78 : i32
    %while3A_80 = arith.addi %while3A_78, %while3A_79 : i32
    %while3A_81 = arith.constant 1 : i32
    %while3A_82 = arith.divsi %while3A_79, %while3A_81 : i32
    %while3A_83 = arith.muli %while3A_82, %while3A_81 : i32
    %while3A_84 = arith.addi %while3A_78, %while3A_83 : i32
    %while3A_85 = arith.constant 1 : i32
    scf.for %while3A_87 = %while3A_78 to %while3A_84 step %while3A_85  : i32 {
      %mul3A = arith.constant 64 : i32
      %mul3A_88 = arith.muli %while3A_87, %mul3A : i32
      %add3A_89 = arith.addi %get3A_0, %mul3A_88 : i32
      %multiple_of3A = tpu.assume_multiple %add3A_89, 8 : i32
      %get3A_90 = arith.index_cast %multiple_of3A : i32 to index
      %get3A_91 = arith.constant 0 : index
      %get3A_92 = vector.load %arg7[%get3A_90, %get3A_91] : memref<2560x768xf32, #tpu.memory_space<vmem>>, vector<64x768xf32>
      %get3A_93 = arith.constant 0 : index
      %get3A_94 = arith.constant 0 : index
      %get3A_95 = arith.constant 0 : index
      %get3A_96 = vector.load %arg4[%get3A_93, %get3A_94, %get3A_95] : memref<1x768x768xf32, #tpu.memory_space<vmem>>, vector<1x768x768xf32>
      %get3A_97 = vector.shape_cast %get3A_96 : vector<1x768x768xf32> to vector<768x768xf32>
      %dot_general3A = arith.constant dense<0.000000e+00> : vector<64x768xf32>
      %dot_general3A_98 = tpu.matmul %get3A_92, %get3A_97, %dot_general3A {dimension_numbers = #tpu.dot_dimension_numbers<[1], [1], [0], [0], [0, 0, 1, 0], [], []>, transpose_lhs_hint = false} : vector<64x768xf32>, vector<768x768xf32>, vector<64x768xf32> -> vector<64x768xf32>
      %get3A_99 = arith.constant 0 : index
      %get3A_100 = arith.constant 0 : index
      %get3A_101 = arith.constant 0 : index
      %get3A_102 = vector.load %arg5[%get3A_99, %get3A_100, %get3A_101] : memref<1x1x768xf32, #tpu.memory_space<vmem>>, vector<1x1x768xf32>
      %get3A_103 = vector.shape_cast %get3A_102 : vector<1x1x768xf32> to vector<1x768xf32>
      %add3A_104 = vector.broadcast %get3A_103 : vector<1x768xf32> to vector<64x768xf32>
      %add3A_105 = arith.addf %dot_general3A_98, %add3A_104 : vector<64x768xf32>
      %get3A_106 = arith.index_cast %multiple_of3A : i32 to index
      %get3A_107 = arith.constant 0 : index
      %get3A_108 = vector.load %arg3[%get3A_106, %get3A_107] : memref<2560x128xf32, #tpu.memory_space<vmem>>, vector<64x1xf32>
      %mul3A_109 = vector.broadcast %get3A_108 : vector<64x1xf32> to vector<64x768xf32>
      %mul3A_110 = arith.mulf %add3A_105, %mul3A_109 : vector<64x768xf32>
      %swap3A_111 = arith.index_cast %multiple_of3A : i32 to index
      %swap3A_112 = arith.constant 0 : index
      %swap3A_113 = vector.load %arg6[%swap3A_111, %swap3A_112] : memref<2560x768xf32, #tpu.memory_space<vmem>>, vector<64x768xf32>
      tpu.vector_store %arg6[%swap3A_111, %swap3A_112], %mul3A_110 {strides = array<i32>} : memref<2560x768xf32, #tpu.memory_space<vmem>>, vector<64x768xf32>,
    }
    %while3A_86 = arith.constant 1 : i32
    scf.for %while3A_87 = %while3A_84 to %while3A_80 step %while3A_86  : i32 {
      %mul3A = arith.constant 64 : i32
      %mul3A_88 = arith.muli %while3A_87, %mul3A : i32
      %add3A_89 = arith.addi %get3A_0, %mul3A_88 : i32
      %multiple_of3A = tpu.assume_multiple %add3A_89, 8 : i32
      %get3A_90 = arith.index_cast %multiple_of3A : i32 to index
      %get3A_91 = arith.constant 0 : index
      %get3A_92 = vector.load %arg7[%get3A_90, %get3A_91] : memref<2560x768xf32, #tpu.memory_space<vmem>>, vector<64x768xf32>
      %get3A_93 = arith.constant 0 : index
      %get3A_94 = arith.constant 0 : index
      %get3A_95 = arith.constant 0 : index
      %get3A_96 = vector.load %arg4[%get3A_93, %get3A_94, %get3A_95] : memref<1x768x768xf32, #tpu.memory_space<vmem>>, vector<1x768x768xf32>
      %get3A_97 = vector.shape_cast %get3A_96 : vector<1x768x768xf32> to vector<768x768xf32>
      %dot_general3A = arith.constant dense<0.000000e+00> : vector<64x768xf32>
      %dot_general3A_98 = tpu.matmul %get3A_92, %get3A_97, %dot_general3A {dimension_numbers = #tpu.dot_dimension_numbers<[1], [1], [0], [0], [0, 0, 1, 0], [], []>, transpose_lhs_hint = false} : vector<64x768xf32>, vector<768x768xf32>, vector<64x768xf32> -> vector<64x768xf32>
      %get3A_99 = arith.constant 0 : index
      %get3A_100 = arith.constant 0 : index
      %get3A_101 = arith.constant 0 : index
      %get3A_102 = vector.load %arg5[%get3A_99, %get3A_100, %get3A_101] : memref<1x1x768xf32, #tpu.memory_space<vmem>>, vector<1x1x768xf32>
      %get3A_103 = vector.shape_cast %get3A_102 : vector<1x1x768xf32> to vector<1x768xf32>
      %add3A_104 = vector.broadcast %get3A_103 : vector<1x768xf32> to vector<64x768xf32>
      %add3A_105 = arith.addf %dot_general3A_98, %add3A_104 : vector<64x768xf32>
      %get3A_106 = arith.index_cast %multiple_of3A : i32 to index
      %get3A_107 = arith.constant 0 : index
      %get3A_108 = vector.load %arg3[%get3A_106, %get3A_107] : memref<2560x128xf32, #tpu.memory_space<vmem>>, vector<64x1xf32>
      %mul3A_109 = vector.broadcast %get3A_108 : vector<64x1xf32> to vector<64x768xf32>
      %mul3A_110 = arith.mulf %add3A_105, %mul3A_109 : vector<64x768xf32>
      %swap3A_111 = arith.index_cast %multiple_of3A : i32 to index
      %swap3A_112 = arith.constant 0 : index
      %swap3A_113 = vector.load %arg6[%swap3A_111, %swap3A_112] : memref<2560x768xf32, #tpu.memory_space<vmem>>, vector<64x768xf32>
      tpu.vector_store %arg6[%swap3A_111, %swap3A_112], %mul3A_110 {strides = array<i32>} : memref<2560x768xf32, #tpu.memory_space<vmem>>, vector<64x768xf32>,
    }
    return
  }
  func.func @transform_1(%arg0: i32, %arg1: memref<128xi32, #tpu.memory_space<smem>>) -> (i32, i32) {
    %c0_i32 = arith.constant 0 : i32
    %c0_i32_0 = arith.constant 0 : i32
    %c0_i32_1 = arith.constant 0 : i32
    return %c0_i32, %c0_i32_0 : i32, i32
  }
  func.func @transform_2(%arg0: i32, %arg1: memref<128xi32, #tpu.memory_space<smem>>) -> (i32, i32, i32) {
    %c0_i32 = arith.constant 0 : i32
    %c0_i32_0 = arith.constant 0 : i32
    %c0_i32_1 = arith.constant 0 : i32
    return %arg0, %c0_i32, %c0_i32_0 : i32, i32, i32
  }
  func.func @transform_3(%arg0: i32, %arg1: memref<128xi32, #tpu.memory_space<smem>>) -> (i32, i32, i32) {
    %c0_i32 = arith.constant 0 : i32
    %c0_i32_0 = arith.constant 0 : i32
    %c0_i32_1 = arith.constant 0 : i32
    return %arg0, %c0_i32, %c0_i32_0 : i32, i32, i32
  }
  func.func @transform_4(%arg0: i32, %arg1: memref<128xi32, #tpu.memory_space<smem>>) -> (i32, i32) {
    %c0_i32 = arith.constant 0 : i32
    %c0_i32_0 = arith.constant 0 : i32
    %c0_i32_1 = arith.constant 0 : i32
    return %c0_i32, %c0_i32_0 : i32, i32
  }
}

</mosaic_0001>

<sc_bundles>
// kernel: kernel.6.cloned.1.call-start
scs
__scs_entry_jumppad:
0x0: {  	(pc) =	sbr.rel $0x88, $3  }
0x1: {  	(tag) =	ssettag $0x0;
	lr =	simm.s32 $0x1  }
0x2: {  	[smem:$0x3F9C] =	sst lr;
	_ =	strace $0xD0000000  }
0x3: {  	_ = 	snop  }
0x4: {  	_ = 	snop  }
0x5: {  	_ = 	snop  }
0x6: {  	_ = 	snop  }
0x7: {  	_ = 	snop  }
__scs_overlays_trampoline_lowered:
0x8: {  	[smem:$0x3FAB] =	sst s0  }
0x9: {  	[smem:$0x3FAC] =	sst s1  }
0xa: {  	[smem:$0x3FAD] =	sst s2  }
0xb: {  	[smem:$0x3FAE] =	sst s3  }
0xc: {  	[smem:$0x3FAF] =	sst s4  }
0xd: {  	[smem:$0x3FB0] =	sst s5  }
0xe: {  	[smem:$0x3FB1] =	sst s6  }
0xf: {  	[smem:$0x3FB2] =	sst s7  }
0x10: {  	[smem:$0x3FB3] =	sst s8  }
0x11: {  	[smem:$0x3FB4] =	sst s9;
	s0 =	simm.s32 @!p0 $0x0  }
0x12: {  	s1 =	sld [smem:$0x3F9A];
	s0 =	simm.s32 @p0 $0x1  }
0x13: {  	[smem:$0x3FB5] =	sst s0;
	s0 =	simm.s32 @!p1 $0x0  }
0x14: {  	s2 =	sld [smem:$0x3F99];
	s0 =	simm.s32 @p1 $0x1  }
0x15: {  	[smem:$0x3FB6] =	sst s0;
	s0 =	simm.s32 @!p2 $0x0  }
0x16: {  	s3 =	sld [smem:$0x3FDB];
	s0 =	simm.s32 @p2 $0x1  }
0x17: {  	s4 =	simm.s32 $0x1BF5;
	[smem:$0x3FB8] =	sst s0  }
0x18: {  	s0 =	sld [smem:$0x3F9B];
	_ =	swait.ge [sflag:s4], $0x0  }
0x19: {  	s7 =	sld [smem:$0x3F9C]  }
0x1a: {  	s8 =	sadd.s32 $0xFFFFE003, lr  }
0x1b: {  	s9 =	sadd.s32 $0xFFFFFEF7, lr;
	s5 =	simm.s32 $0xFFFFFFFF;
	p2 =	slt.u32 s8, $0xFFFFF086  }
0x1c: {  	p1 =	slt.u32 s9, $0xF7A;
	s5 =	simm.s32 @!p2 $0x0  }
0x1d: {  	s5 =	simm.s32 @p1 $0x1;
	p0 =	seq.s32 s7, s2  }
0x1e: {  	s7 =	smul.u32 @!p0 $0xF7A, s2;
	p2 =	seq.s32 @!p0 s5, $0x0  }
0x1f: {  	s9 =	smul.u32 $0xF7A, s1;
	s8 =	simm.s32 @!p0 $0x1BF5;
	p2 =	por !p2, p0  }
0x20: {  	[sflag:s8] =	ssyncset.s32 @!p0 $0xFFFFF086;
	s6 =	sadd.s32 @!p0 s3, s7;
	s7 =	simm.s32 @!p0 $0x108  }
0x21: {  	s3 =	sadd.s32 s3, s9;
	s6 =	sadd.s32 @!p0 $0x88, s6;
	s7 =	simm.s32 @p2 $0x1082  }
0x22: {  	[simem:s7], [sflag:s8] =	dma.local @!p0 [hbm:s6], $0xF7A  }
0x23: {  	s9 =	sor.u32 $0xD0000000, s2;
	s6 =	simm.s32 $0x108;
	_ =	swait.ge @!p0 [sflag:s8], $0x0  }
0x24: {  	s3 =	sadd.s32 $0x88, s3;
	s6 =	simm.s32 @!p1 $0x1082;
	[sflag:s4] =	ssyncset.s32 $0xFFFFF086  }
0x25: {  	[simem:s6], [sflag:s4] =	dma.local [hbm:s3], $0xF7A  }
0x26: {  	[smem:$0x3F9C] =	sst s1;
	(tag) =	ssettag s2;
	_ =	strace s9  }
0x27: {  	s1 =	sld [smem:$0x3FAC]  }
0x28: {  	s2 =	sld [smem:$0x3FAD]  }
0x29: {  	s4 =	sld [smem:$0x3FAF]  }
0x2a: {  	p0 =	seq.s32 s5, $0x0;
	s5 =	sld [smem:$0x3FB0]  }
0x2b: {  	s6 =	sld [smem:$0x3FB1]  }
0x2c: {  	s7 =	sld [smem:$0x3FB2]  }
0x2d: {  	s3 =	simm.s32 $0x108;
	s8 =	sld [smem:$0x3FB3]  }
0x2e: {  	s3 =	simm.s32 @!p0 $0x1082;
	s9 =	sld [smem:$0x3FB4]  }
0x2f: {  	lr =	sadd.s32 s0, s3;
	s0 =	sld [smem:$0x3FAB]  }
0x30: {  	s3 =	sld [smem:$0x3FAE]  }
0x31: {  	[smem:$0x3FB7] =	sst s10  }
0x32: {  	s10 =	sld [smem:$0x3FB5];
	_ =	sdelay $0x3  }
0x33: {  	p0 =	seq.s32 s10, $0x1;
	s10 =	sld [smem:$0x3FB7];
	_ =	sdelay $0x3  }
0x34: {  	[smem:$0x3FB7] =	sst s10  }
0x35: {  	s10 =	sld [smem:$0x3FB6];
	_ =	sdelay $0x3  }
0x36: {  	p1 =	seq.s32 s10, $0x1;
	s10 =	sld [smem:$0x3FB7];
	_ =	sdelay $0x3  }
0x37: {  	[smem:$0x3FB7] =	sst s10  }
0x38: {  	s10 =	sld [smem:$0x3FB8]  }
0x39: {  	_ = 	snop;
	(pc) =	sbr.ind lr, $3  }
0x3a: {  	_ = 	snop  }
0x3b: {  	_ = 	snop  }
0x3c: {  	p2 =	seq.s32 s10, $0x1;
	s10 =	sld [smem:$0x3FB7]  }
0x3d: {  	_ =	shalt  }
0x3e: {  	_ =	shalt  }
0x3f: {  	_ =	shalt  }
0x40: {  	_ =	shalt  }
0x41: {  	_ =	shalt  }
0x42: {  	_ =	shalt  }
0x43: {  	_ =	shalt  }
0x44: {  	_ =	shalt  }
0x45: {  	_ =	shalt  }
0x46: {  	_ =	shalt  }
0x47: {  	_ =	shalt  }
0x48: {  	_ =	shalt  }
0x49: {  	_ =	shalt  }
0x4a: {  	_ =	shalt  }
0x4b: {  	_ =	shalt  }
0x4c: {  	_ =	shalt  }
0x4d: {  	_ =	shalt  }
0x4e: {  	_ =	shalt  }
0x4f: {  	_ =	shalt  }
0x50: {  	_ =	shalt  }
0x51: {  	_ =	shalt  }
0x52: {  	_ =	shalt  }
0x53: {  	_ =	shalt  }
0x54: {  	_ =	shalt  }
0x55: {  	_ =	shalt  }
0x56: {  	_ =	shalt  }
0x57: {  	_ =	shalt  }
0x58: {  	_ =	shalt  }
0x59: {  	_ =	shalt  }
0x5a: {  	_ =	shalt  }
0x5b: {  	_ =	shalt  }
0x5c: {  	_ =	shalt  }
0x5d: {  	_ =	shalt  }
0x5e: {  	_ =	shalt  }
0x5f: {  	_ =	shalt  }
0x60: {  	_ =	shalt  }
0x61: {  	_ =	shalt  }
0x62: {  	_ =	shalt  }
0x63: {  	_ =	shalt  }
0x64: {  	_ =	shalt  }
0x65: {  	_ =	shalt  }
0x66: {  	_ =	shalt  }
0x67: {  	_ =	shalt  }
0x68: {  	_ =	shalt  }
0x69: {  	_ =	shalt  }
0x6a: {  	_ =	shalt  }
0x6b: {  	_ =	shalt  }
0x6c: {  	_ =	shalt  }
0x6d: {  	_ =	shalt  }
0x6e: {  	_ =	shalt  }
0x6f: {  	_ =	shalt  }
0x70: {  	_ =	shalt  }
0x71: {  	_ =	shalt  }
0x72: {  	_ =	shalt  }
0x73: {  	_ =	shalt  }
0x74: {  	_ =	shalt  }
0x75: {  	_ =	shalt  }
0x76: {  	_ =	shalt  }
0x77: {  	_ =	shalt  }
0x78: {  	_ =	shalt  }
0x79: {  	_ =	shalt  }
0x7a: {  	_ =	shalt  }
0x7b: {  	_ =	shalt  }
0x7c: {  	_ =	shalt  }
0x7d: {  	_ =	shalt  }
0x7e: {  	_ =	shalt  }
0x7f: {  	_ =	shalt  }
0x80: {  	_ =	shalt  }
0x81: {  	_ =	shalt  }
0x82: {  	_ =	shalt  }
0x83: {  	_ =	shalt  }
0x84: {  	_ =	shalt  }
0x85: {  	_ =	shalt  }
0x86: {  	_ =	shalt  }
0x87: {  	_ =	shalt  }
.Lfunc_end0:
.L_simem_size_0:
called_computation_lowered:
.L_overlay_start_0:
0x88: {  	s2 =	sld [smem:$0x3FD9]  }
0x89: {  	s3 =	sld [smem:$0x3FFE];
	_ =	sdelay $0x1  }
0x8a: {  	s1 =	srdreg.scid  }
0x8b: {  	s0 =	sand.u32 $0x1, s1  }
0x8c: {  	s14 =	sshll.u32 s0, $0xA;
	s2 =	sadd.s32 s3, s2  }
0x8d: {  	s2 =	sadd.s32 s2, s14  }
0x8e: {  	[smem:$0x3FC3] =	sst s2  }
0x8f: {  	_ = 	snop  }
0x90: {  	s2 =	sld [smem:$0x3FD0];
	_ =	sdelay $0x2  }
0x91: {  	s4 =	simm.s32 $0xA;
	s5 =	simm.s32 $0x10;
	s15 =	sld [smem:$0x3FC9]  }
0x92: {  	[smem:s5], [sflag:s4] =	dma.local [hbm:s2], $0x1  }
0x93: {  	_ =	swait.eq [sflag:s4], $0x1  }
0x94: {  	[sflag:s4] =	ssyncset.done $0x0  }
0x95: {  	s16 =	sld [smem:$0x10];
	[sflag:s4] =	ssyncadd.s32 $0xFFFFFFFF  }
0x96: {  	s17 =	sld [smem:$0x11];
	(tm) =	ssettm $0x1  }
0x97: {  	s18 =	sld [smem:$0x3FFB];
	_ =	sdelay $0x3  }
0x98: {  	_ =	strace s18  }
0x99: {  	s5 =	sld [smem:$0x3FFC];
	_ =	sdelay $0x3  }
0x9a: {  	_ =	strace s5  }
0x9b: {  	s5 =	sld [smem:$0x3FFD];
	_ =	sdelay $0x3  }
0x9c: {  	_ =	strace s5  }
0x9d: {  	_ =	strace $0x8FFFFFFF  }
0x9e: {  	s19 =	sld [smem:$0x3FDB];
	_ =	sdelay $0x1  }
0x9f: {  	s6 =	simm.s32 $_scs_section_size  }
0xa0: {  	s7 =	simm.s32 $_size__tile_overlayer_lowered;
	s8 =	simm.s32 $_tile_overlayer_lowered  }
0xa1: {  	s22 =	simm.s32 $0x1BFF;
	s21 =	sshll.u32 s8, $0x1;
	s5 =	sadd.s32 s6, s19  }
0xa2: {  	s9 =	simm.s32 $0x0;
	s20 =	sshll.u32 s7, $0x1;
	s7 =	sadd.s32 s21, s5  }
0xa3: {  	[timem:s9], [sflag:s22] =	dma.local [hbm:s7], s20  }
0xa4: {  	_ =	swait.ge [sflag:s22], s20  }
0xa5: {  	s6 =	ssub.s32 $0x0, s20;
	[sflag:s22] =	ssyncset.done $0x0  }
0xa6: {  	[sflag:s22] =	ssyncadd.s32 s6;
	_ =	sdelay $0x1  }
0xa7: {  	s23 =	simm.s32 $0x1B8B  }
0xa8: {  	_ =	swait.ge [sflag:s23], $0x1  }
0xa9: {  	[sflag:s23] =	ssyncset.done $0x0  }
0xaa: {  	s25 =	simm.s32 $0x1B8E;
	s24 =	sld [smem:$0x3FFE];
	[sflag:s23] =	ssyncadd.s32 $0xFFFFFFFF  }
0xab: {  	s26 =	simm.s32 $execute0_lowered;
	[smem:$0x3FD2] =	sst s25  }
0xac: {  	s7 =	sshll.u32 s26, $0x1;
	_ =	strace $0x80000046;
	[dreg:$0x1] =	wrdreg $0xFFFFFFFF  }
0xad: {  	s28 =	simm.s32 $_size_execute0_lowered;
	s5 =	sadd.s32 s5, s7;
	[dreg:$0x0] =	wrdreg $0x0  }
0xae: {  	s7 =	sshll.u32 s28, $0x1;
	[dreg:$0x2] =	wrdreg s5  }
0xaf: {  	[dreg:$0x3] =	wrdreg s7  }
0xb0: {  	[dreg:$0x4] =	wrdreg $0xC0  }
0xb1: {  	_ =	task [dreg:s9], $0x5FFFF  }
0xb2: {  	[dreg:$0x1] =	wrdreg $0xFFFFFFFF  }
0xb3: {  	[dreg:$0x0] =	wrdreg $0x60  }
0xb4: {  	[dreg:$0x2] =	wrdreg s24  }
0xb5: {  	[dreg:$0x3] =	wrdreg s17  }
0xb6: {  	[dreg:$0x4] =	wrdreg s15  }
0xb7: {  	[dreg:$0x5] =	wrdreg s16  }
0xb8: {  	[dreg:$0x6] =	wrdreg $0x9  }
0xb9: {  	_ =	task.clear_ibuf [dreg:s9], $0x7FFFF;
	_ =	strace $0x90000046  }
0xba: {  	s29 =	simm.s32 $0x9;
	_ =	strace $0x80000048  }
0xbb: {  	_ =	swait.ge [sflag:s29], $0x1  }
0xbc: {  	[sflag:s29] =	ssyncadd.s32 $0xFFFFFFFF  }
0xbd: {  	_ =	strace $0x90000048  }
0xbe: {  	_ =	sfence  }
0xbf: {  	s30 =	sld [smem:$0x0];
	_ =	sdelay $0x2  }
0xc0: {  	s31 =	sshll.u32 s1, $0xD;
	s1 =	sshrl.u32 s1, $0x2  }
0xc1: {  	s3 =	sand.u32 $0x4000, s31;
	s1 =	sadd.s32 s1, s30  }
0xc2: {  	s0 =	sor.u32 s3, s0;
	s1 =	sshll.u32 s1, $0x11  }
0xc3: {  	s0 =	sor.u32 s1, s0  }
0xc4: {  	s0 =	sadd.s32 $0x8F2B, s0  }
0xc5: {  	[sflag:s0] =	ssyncadd.remote.s32 $0x1  }
0xc6: {  	_ =	sfence.sel $0xFFFF  }
0xc7: {  	[dreg:$0x0] =	wrdreg $0xFFFFFFFF;
	(pc) =	sbr.abs _section_cstart, $3  }
0xc8: {  	[dreg:$0x1] =	wrdreg $0xFFFFFFFF  }
0xc9: {  	_ =	task.clear_ibuf [dreg:s9], $0x2FFFF;
	_ =	strace $0x9FFFFFFF  }
0xca: {  	(tm) =	ssettm $0x7FFFFFFF  }
0xcb: {  	_ =	shalt  }
tec
execute0_lowered:
.L_overlay_start_1:
0x0: {  	(tag) =	ssettag $0x1  }
0x1: {  	s1 =	rddreg [dreg:$0x0]  }
0x2: {  	s4 =	rddreg [dreg:$0x1]  }
0x3: {  	s2 =	srdreg.scid;
	s5 =	rddreg [dreg:$0x2]  }
0x4: {  	s0 =	stileid.u32;
	s3 =	simm.s32 $0x0;
	s19 =	simm.s32 $0x80  }
0x5: {  	s21 =	simm.s32 $0x900;
	s22 =	simm.s32 $0x1100;
	s23 =	simm.s32 $0x1900  }
0x6: {  	s24 =	simm.s32 $0x2100;
	s25 =	simm.s32 $0x2900;
	s26 =	simm.s32 $0x3100  }
0x7: {  	s10 =	simm.s32 $0xC100;
	s6 =	sand.u32 $0x1, s2;
	s2 =	rddreg [dreg:$0x3]  }
0x8: {  	s13 =	simm.s32 $0x4900;
	s14 =	simm.s32 $0x5100;
	[smem:$0x7FF] =	sst s3  }
0x9: {  	s15 =	simm.s32 $0x5900;
	_ =	strace $0x80000047;
	[dreg:$0x8] =	wrdreg s19  }
0xa: {  	s16 =	simm.s32 $0xC900;
	s17 =	simm.s32 $0x6100;
	[dreg:$0x9] =	wrdreg s21  }
0xb: {  	s18 =	simm.s32 $0x6900;
	s28 =	simm.s32 $0xA900;
	[dreg:$0xa] =	wrdreg s22  }
0xc: {  	s29 =	simm.s32 $0xB100;
	s30 =	simm.s32 $0xB900;
	[dreg:$0xb] =	wrdreg s23  }
0xd: {  	s31 =	simm.s32 $0xD900;
	s7 =	sshll.u32 s0, $0x4;
	[dreg:$0xc] =	wrdreg s24  }
0xe: {  	s8 =	sshll.u32 s6, $0x3;
	s6 =	ssub.s32 $0x2, s6;
	[dreg:$0xd] =	wrdreg s25  }
0xf: {  	[dreg:$0xe] =	wrdreg s26;
	s19 =	simm.s32 $0x7100;
	s21 =	simm.s32 $0x8100  }
0x10: {  	s22 =	simm.s32 $0x8900;
	s23 =	simm.s32 $0xD100;
	s24 =	simm.s32 $0x9100  }
0x11: {  	s25 =	simm.s32 $0x9900;
	s26 =	simm.s32 $0xA100;
	s7 =	sor.u32 s8, s7  }
0x12: {  	s20 =	sshrl.u32 s6, $0x1;
	s8 =	sadd.s32 s7, s1;
	s9 =	smul.u32 $0x300, s7  }
0x13: {  	s7 =	sadd.s32 s4, s7;
	s4 =	sadd.s32 $0x1400, s1;
	s8 =	sadd.s32 $0x1200, s8  }
0x14: {  	v6 =	vlaneseq.u32;
	[dreg:$0x6] =	wrdreg s7;
	s7 =	ssub.s32 s6, s20;
	s6 =	sadd.s32 $0x1600, s1  }
0x15: {  	vm0 =	vmmov $0xffff;
	v0 =	vmul.u32 $0x80, v6;
	v5 =	vshrl.u32 v6, $0x3;
	s20 =	simm.s32 $0x7900;
	[dreg:$0x5] =	wrdreg s8;
	s5 =	sadd.s32 s5, s9  }
0x16: {  	v4 =	vand.u32 $0x7, v6;
	v6 =	vor.u32 $0x8, v6;
	v5 =	vmul.u32 $0x8, v5;
	s7 =	smax.u32 s7, $0x1;
	s8 =	simm.s32 $0x100;
	s9 =	simm.s32 $0x1  }
0x17: {  	v1 =	vor.u32 $0x800, v0;
	v2 =	vor.u32 $0x1000, v0;
	v3 =	vor.u32 $0x1800, v0;
	[dreg:$0x7] =	wrdreg s5;
	s5 =	sadd.s32 $0x1500, s1;
	s1 =	simm.s32 $0x2  }
.LBB2_1:
0x18: {  	s0 =	rddreg [dreg:$0x5]  }
0x19: {  	s11 =	rddreg [dreg:$0x6]  }
0x1a: {  	[tilespmem:s3], [sflag:$0x1] =	stream.linear.gather [hbm4b:s0+s3], $0x40, $0x38;
	[tilespmem:$0xE100] =	vst v63  }
0x1b: {  	s12 =	rddreg [dreg:$0x8]  }
0x1c: {  	[tilespmem:s12], [sflag:$0x1] =	stream.linear.gather [hbm4b:s11+s3], $0x40, $0x38;
	[tilespmem:$0xE100] =	vst v63  }
0x1d: {  	s0 =	rddreg [dreg:$0x7]  }
0x1e: {  	[tilespmem:s8], [sflag:$0x1] =	stream.linear.gather [hbm4b:s0+s3], $0xC000, $0x38;
	[tilespmem:$0xE100] =	vst v63  }
0x1f: {  	_ =	swait.ge [sflag:s9], $0x40  }
0x20: {  	[sflag:s9] =	ssyncset.done $0x0  }
0x21: {  	[sflag:s9] =	ssyncadd.s32 $0xFFFFFFC0  }
0x22: {  	_ =	swait.ge [sflag:s9], $0x40  }
0x23: {  	[sflag:s9] =	ssyncset.done $0x0  }
0x24: {  	[sflag:s9] =	ssyncadd.s32 $0xFFFFFFC0  }
0x25: {  	_ =	swait.ge [sflag:s9], $0xC000  }
0x26: {  	[sflag:s9] =	ssyncset.done $0x0  }
0x27: {  	[sflag:s9] =	ssyncadd.s32 $0xFFFF4000  }
0x28: {  	v7 =	vld [tilespmem:$0x80];
	_ =	sdelay $0x4  }
0x29: {  	[tilespmem:v0+s10+$0x0] =	vst.idx.msk $0xffff, v7  }
0x2a: {  	v7 =	vld [tilespmem:$0x90];
	_ =	sdelay $0x4  }
0x2b: {  	[tilespmem:v1+s10+$0x0] =	vst.idx.msk $0xffff, v7  }
0x2c: {  	v7 =	vld [tilespmem:$0xA0];
	_ =	sdelay $0x4  }
0x2d: {  	[tilespmem:v2+s10+$0x0] =	vst.idx.msk $0xffff, v7  }
0x2e: {  	v7 =	vld [tilespmem:$0xB0];
	_ =	sdelay $0x4  }
0x2f: {  	[tilespmem:v3+s10+$0x0] =	vst.idx.msk $0xffff, v7  }
0x30: {  	v7 =	vld [tilespmem:$0x0];
	_ =	sdelay $0x4  }
0x31: {  	v8 =	vshrl.u32 v7, $0x3  }
0x32: {  	v8 =	vmul.u32 $0x30, v8  }
0x33: {  	v9 =	vand.u32 $0x7, v7  }
0x34: {  	v8 =	vor.u32 v9, v8  }
0x35: {  	v9 =	vperm.xlane v8, v4;
	_ =	sdelay $0x1  }
0x36: {  	v9 =	vadd.s32 v5, v9;
	_ =	sdelay $0x3  }
0x37: {  	v8 =	vperm.xlane v8, v6  }
0x38: {  	[hbm4b:s4+s3] =	stream.indirect_vreg.scatter [tilespmem:s8], [sflag:$0x2], $0x80, v9, vm0, $0xb8;
	[tilespmem:$0xE100] =	vst v63  }
0x39: {  	s12 =	rddreg [dreg:$0x9];
	v8 =	vadd.s32 v5, v8  }
0x3a: {  	[hbm4b:s5+s3] =	stream.indirect_vreg.scatter [tilespmem:s12], [sflag:$0x2], $0x80, v9, vm0, $0xb8;
	[tilespmem:$0xE100] =	vst v63  }
0x3b: {  	s11 =	rddreg [dreg:$0xa]  }
0x3c: {  	[hbm4b:s6+s3] =	stream.indirect_vreg.scatter [tilespmem:s11], [sflag:$0x2], $0x80, v9, vm0, $0xb8;
	[tilespmem:$0xE100] =	vst v63  }
0x3d: {  	s12 =	rddreg [dreg:$0xb]  }
0x3e: {  	[hbm4b:s4+s3] =	stream.indirect_vreg.scatter [tilespmem:s12], [sflag:$0x2], $0x80, v8, vm0, $0xb8;
	[tilespmem:$0xE100] =	vst v63  }
0x3f: {  	s11 =	rddreg [dreg:$0xc]  }
0x40: {  	[hbm4b:s5+s3] =	stream.indirect_vreg.scatter [tilespmem:s11], [sflag:$0x2], $0x80, v8, vm0, $0xb8;
	[tilespmem:$0xE100] =	vst v63  }
0x41: {  	s12 =	rddreg [dreg:$0xd]  }
0x42: {  	[hbm4b:s6+s3] =	stream.indirect_vreg.scatter [tilespmem:s12], [sflag:$0x2], $0x80, v8, vm0, $0xb8;
	[tilespmem:$0xE100] =	vst v63  }
0x43: {  	_ = 	snop  }
0x44: {  	[hbm4b:s2+s3] =	stream.indirect_vreg.scatter [tilespmem:s10], [sflag:$0x2], $0x80, v7, vm0, $0xb8;
	[tilespmem:$0xE100] =	vst v63  }
0x45: {  	v7 =	vld [tilespmem:$0x10];
	_ =	sdelay $0x4  }
0x46: {  	v8 =	vshrl.u32 v7, $0x3  }
0x47: {  	v8 =	vmul.u32 $0x30, v8  }
0x48: {  	v61 =	vand.u32 $0x7, v7  }
0x49: {  	v8 =	vor.u32 v61, v8  }
0x4a: {  	v9 =	vperm.xlane v8, v4;
	_ =	sdelay $0x1  }
0x4b: {  	v9 =	vadd.s32 v5, v9;
	_ =	sdelay $0x3  }
0x4c: {  	s12 =	rddreg [dreg:$0xe];
	v8 =	vperm.xlane v8, v6  }
0x4d: {  	[hbm4b:s4+s3] =	stream.indirect_vreg.scatter [tilespmem:s12], [sflag:$0x2], $0x80, v9, vm0, $0xb8;
	[tilespmem:$0xE100] =	vst v63  }
0x4e: {  	s11 =	simm.s32 $0x3900;
	v8 =	vadd.s32 v5, v8  }
0x4f: {  	[hbm4b:s5+s3] =	stream.indirect_vreg.scatter [tilespmem:s11], [sflag:$0x2], $0x80, v9, vm0, $0xb8;
	[tilespmem:$0xE100] =	vst v63  }
0x50: {  	s12 =	simm.s32 $0x4100  }
0x51: {  	[hbm4b:s6+s3] =	stream.indirect_vreg.scatter [tilespmem:s12], [sflag:$0x2], $0x80, v9, vm0, $0xb8;
	[tilespmem:$0xE100] =	vst v63  }
0x52: {  	_ = 	snop  }
0x53: {  	[hbm4b:s4+s3] =	stream.indirect_vreg.scatter [tilespmem:s13], [sflag:$0x2], $0x80, v8, vm0, $0xb8;
	[tilespmem:$0xE100] =	vst v63  }
0x54: {  	_ = 	snop  }
0x55: {  	[hbm4b:s5+s3] =	stream.indirect_vreg.scatter [tilespmem:s14], [sflag:$0x2], $0x80, v8, vm0, $0xb8;
	[tilespmem:$0xE100] =	vst v63  }
0x56: {  	_ = 	snop  }
0x57: {  	[hbm4b:s6+s3] =	stream.indirect_vreg.scatter [tilespmem:s15], [sflag:$0x2], $0x80, v8, vm0, $0xb8;
	[tilespmem:$0xE100] =	vst v63  }
0x58: {  	_ = 	snop  }
0x59: {  	[hbm4b:s2+s3] =	stream.indirect_vreg.scatter [tilespmem:s16], [sflag:$0x2], $0x80, v7, vm0, $0xb8;
	[tilespmem:$0xE100] =	vst v63  }
0x5a: {  	v7 =	vld [tilespmem:$0x20];
	_ =	sdelay $0x4  }
0x5b: {  	v8 =	vshrl.u32 v7, $0x3  }
0x5c: {  	v8 =	vmul.u32 $0x30, v8  }
0x5d: {  	v62 =	vand.u32 $0x7, v7  }
0x5e: {  	v8 =	vor.u32 v62, v8  }
0x5f: {  	v9 =	vperm.xlane v8, v4;
	_ =	sdelay $0x1  }
0x60: {  	v9 =	vadd.s32 v5, v9;
	_ =	sdelay $0x3  }
0x61: {  	v8 =	vperm.xlane v8, v6  }
0x62: {  	[hbm4b:s4+s3] =	stream.indirect_vreg.scatter [tilespmem:s17], [sflag:$0x2], $0x80, v9, vm0, $0xb8;
	[tilespmem:$0xE100] =	vst v63  }
0x63: {  	v8 =	vadd.s32 v5, v8  }
0x64: {  	[hbm4b:s5+s3] =	stream.indirect_vreg.scatter [tilespmem:s18], [sflag:$0x2], $0x80, v9, vm0, $0xb8;
	[tilespmem:$0xE100] =	vst v63  }
0x65: {  	_ = 	snop  }
0x66: {  	[hbm4b:s6+s3] =	stream.indirect_vreg.scatter [tilespmem:s19], [sflag:$0x2], $0x80, v9, vm0, $0xb8;
	[tilespmem:$0xE100] =	vst v63  }
0x67: {  	_ = 	snop  }
0x68: {  	[hbm4b:s4+s3] =	stream.indirect_vreg.scatter [tilespmem:s20], [sflag:$0x2], $0x80, v8, vm0, $0xb8;
	[tilespmem:$0xE100] =	vst v63  }
0x69: {  	_ = 	snop  }
0x6a: {  	[hbm4b:s5+s3] =	stream.indirect_vreg.scatter [tilespmem:s21], [sflag:$0x2], $0x80, v8, vm0, $0xb8;
	[tilespmem:$0xE100] =	vst v63  }
0x6b: {  	_ = 	snop  }
0x6c: {  	[hbm4b:s6+s3] =	stream.indirect_vreg.scatter [tilespmem:s22], [sflag:$0x2], $0x80, v8, vm0, $0xb8;
	[tilespmem:$0xE100] =	vst v63  }
0x6d: {  	_ = 	snop  }
0x6e: {  	[hbm4b:s2+s3] =	stream.indirect_vreg.scatter [tilespmem:s23], [sflag:$0x2], $0x80, v7, vm0, $0xb8;
	[tilespmem:$0xE100] =	vst v63  }
0x6f: {  	v7 =	vld [tilespmem:$0x30];
	_ =	sdelay $0x4  }
0x70: {  	v8 =	vshrl.u32 v7, $0x3  }
0x71: {  	v8 =	vmul.u32 $0x30, v8  }
0x72: {  	v63 =	vand.u32 $0x7, v7  }
0x73: {  	v8 =	vor.u32 v63, v8  }
0x74: {  	v9 =	vperm.xlane v8, v4;
	_ =	sdelay $0x1  }
0x75: {  	v9 =	vadd.s32 v5, v9;
	_ =	sdelay $0x3  }
0x76: {  	v8 =	vperm.xlane v8, v6  }
0x77: {  	[hbm4b:s4+s3] =	stream.indirect_vreg.scatter [tilespmem:s24], [sflag:$0x2], $0x80, v9, vm0, $0xb8;
	[tilespmem:$0xE100] =	vst v63  }
0x78: {  	v8 =	vadd.s32 v5, v8  }
0x79: {  	[hbm4b:s5+s3] =	stream.indirect_vreg.scatter [tilespmem:s25], [sflag:$0x2], $0x80, v9, vm0, $0xb8;
	[tilespmem:$0xE100] =	vst v63  }
0x7a: {  	_ = 	snop  }
0x7b: {  	[hbm4b:s6+s3] =	stream.indirect_vreg.scatter [tilespmem:s26], [sflag:$0x2], $0x80, v9, vm0, $0xb8;
	[tilespmem:$0xE100] =	vst v63  }
0x7c: {  	_ = 	snop  }
0x7d: {  	[hbm4b:s4+s3] =	stream.indirect_vreg.scatter [tilespmem:s28], [sflag:$0x2], $0x80, v8, vm0, $0xb8;
	[tilespmem:$0xE100] =	vst v63  }
0x7e: {  	_ = 	snop  }
0x7f: {  	[hbm4b:s5+s3] =	stream.indirect_vreg.scatter [tilespmem:s29], [sflag:$0x2], $0x80, v8, vm0, $0xb8;
	[tilespmem:$0xE100] =	vst v63  }
0x80: {  	_ = 	snop  }
0x81: {  	[hbm4b:s6+s3] =	stream.indirect_vreg.scatter [tilespmem:s30], [sflag:$0x2], $0x80, v8, vm0, $0xb8;
	[tilespmem:$0xE100] =	vst v63  }
0x82: {  	_ = 	snop  }
0x83: {  	[hbm4b:s2+s3] =	stream.indirect_vreg.scatter [tilespmem:s31], [sflag:$0x2], $0x80, v7, vm0, $0xb8;
	[tilespmem:$0xE100] =	vst v63  }
0x84: {  	_ =	swait.ge [sflag:s1], $0x3000  }
0x85: {  	[sflag:s1] =	ssyncset.done $0x0  }
0x86: {  	[sflag:s1] =	ssyncadd.s32 $0xFFFFD000  }
0x87: {  	_ =	swait.ge [sflag:s1], $0x800  }
0x88: {  	[sflag:s1] =	ssyncset.done $0x0  }
0x89: {  	[sflag:s1] =	ssyncadd.s32 $0xFFFFF800  }
0x8a: {  	_ =	swait.ge [sflag:s1], $0x3000  }
0x8b: {  	[sflag:s1] =	ssyncset.done $0x0  }
0x8c: {  	[sflag:s1] =	ssyncadd.s32 $0xFFFFD000  }
0x8d: {  	_ =	swait.ge [sflag:s1], $0x800  }
0x8e: {  	[sflag:s1] =	ssyncset.done $0x0  }
0x8f: {  	[sflag:s1] =	ssyncadd.s32 $0xFFFFF800  }
0x90: {  	_ =	swait.ge [sflag:s1], $0x3000  }
0x91: {  	[sflag:s1] =	ssyncset.done $0x0  }
0x92: {  	[sflag:s1] =	ssyncadd.s32 $0xFFFFD000  }
0x93: {  	_ =	swait.ge [sflag:s1], $0x800  }
0x94: {  	[sflag:s1] =	ssyncset.done $0x0  }
0x95: {  	[sflag:s1] =	ssyncadd.s32 $0xFFFFF800  }
0x96: {  	p0 =	sne.s32 s7, $0x1;
	_ =	swait.ge [sflag:s1], $0x3000  }
.Ltmp0:
0x97: {  	[sflag:s1] =	ssyncset.done $0x0;
	(pc) =	sbr.rel @p0 .LBB2_1-.Ltmp0, $4  }
0x98: {  	[sflag:s1] =	ssyncadd.s32 $0xFFFFD000  }
0x99: {  	_ =	swait.ge [sflag:s1], $0x800  }
0x9a: {  	[sflag:s1] =	ssyncset.done $0x0  }
0x9b: {  	s7 =	sadd.s32 $0xFFFFFFFF, s7;
	[sflag:s1] =	ssyncadd.s32 $0xFFFFF800  }
0x9c: {  	_ =	sfence.sel $0x180000  }
0x9d: {  	[bflag:$0x0] =	sbarrier.arrive $0xFFFF  }
0x9e: {  	_ =	strace $0x90000047  }
0x9f: {  	s0 =	stileid.u32;
	[bflag:$0x2] =	sbarrier.arrive $0xFFFF  }
0xa0: {  	p0 =	sne.s32 s0, $0x0;
	s0 =	rddreg [dreg:$0x4]  }
0xa1: {  	s0 =	sadd.s32 @!p0 $0x100000, s0  }
0xa2: {  	[sflag:s0] =	ssyncadd.tile.s32 @!p0 $0x1;
	_ =	shalt  }
.Lfunc_end2:
_tile_overlayer_lowered:
.L_overlay_start_2:
0xa3: {  	(tag) =	ssettag $0x2  }
0xa4: {  	s0 =	rddreg [dreg:$0x0];
	s2 =	stileid.u32  }
0xa5: {  	s1 =	rddreg [dreg:$0x1];
	p0 =	sne.s32 s2, $0x0  }
0xa6: {  	s3 =	rddreg [dreg:$0x2];
	[bflag:$0x3] =	sbarrier.arrive $0xFFFF;
	s2 =	simm.s32 @!p0 $0x1C03  }
0xa7: {  	[timem:s3], [sflag:s2] =	dma.local @!p0 [hbm:s0], s1  }
0xa8: {  	s0 =	simm.s32 @!p0 $0x3  }
0xa9: {  	_ =	swait.ge @!p0 [sflag:s0], s1  }
0xaa: {  	s1 =	ssub.s32 @!p0 $0x0, s1;
	[sflag:s0] =	ssyncset.done @!p0 $0x0  }
0xab: {  	[sflag:s0] =	ssyncadd.s32 @!p0 s1  }
0xac: {  	[bflag:$0x3] =	sbarrier.arrive $0xFFFF  }
0xad: {  	_ =	shalt  }

// kernel: kernel.9.cloned.1.call-start
scs
__scs_entry_jumppad:
0x0: {  	(pc) =	sbr.rel $0x88, $3  }
0x1: {  	(tag) =	ssettag $0x0;
	lr =	simm.s32 $0x1  }
0x2: {  	[smem:$0x3F9C] =	sst lr;
	_ =	strace $0xD0000000  }
0x3: {  	_ = 	snop  }
0x4: {  	_ = 	snop  }
0x5: {  	_ = 	snop  }
0x6: {  	_ = 	snop  }
0x7: {  	_ = 	snop  }
__scs_overlays_trampoline_lowered:
0x8: {  	[smem:$0x3FAB] =	sst s0  }
0x9: {  	[smem:$0x3FAC] =	sst s1  }
0xa: {  	[smem:$0x3FAD] =	sst s2  }
0xb: {  	[smem:$0x3FAE] =	sst s3  }
0xc: {  	[smem:$0x3FAF] =	sst s4  }
0xd: {  	[smem:$0x3FB0] =	sst s5  }
0xe: {  	[smem:$0x3FB1] =	sst s6  }
0xf: {  	[smem:$0x3FB2] =	sst s7  }
0x10: {  	[smem:$0x3FB3] =	sst s8  }
0x11: {  	[smem:$0x3FB4] =	sst s9;
	s0 =	simm.s32 @!p0 $0x0  }
0x12: {  	s1 =	sld [smem:$0x3F9A];
	s0 =	simm.s32 @p0 $0x1  }
0x13: {  	[smem:$0x3FB5] =	sst s0;
	s0 =	simm.s32 @!p1 $0x0  }
0x14: {  	s2 =	sld [smem:$0x3F99];
	s0 =	simm.s32 @p1 $0x1  }
0x15: {  	[smem:$0x3FB6] =	sst s0;
	s0 =	simm.s32 @!p2 $0x0  }
0x16: {  	s3 =	sld [smem:$0x3FDB];
	s0 =	simm.s32 @p2 $0x1  }
0x17: {  	s4 =	simm.s32 $0x1BF5;
	[smem:$0x3FB8] =	sst s0  }
0x18: {  	s0 =	sld [smem:$0x3F9B];
	_ =	swait.ge [sflag:s4], $0x0  }
0x19: {  	s7 =	sld [smem:$0x3F9C]  }
0x1a: {  	s8 =	sadd.s32 $0xFFFFE003, lr  }
0x1b: {  	s9 =	sadd.s32 $0xFFFFFEF7, lr;
	s5 =	simm.s32 $0xFFFFFFFF;
	p2 =	slt.u32 s8, $0xFFFFF086  }
0x1c: {  	p1 =	slt.u32 s9, $0xF7A;
	s5 =	simm.s32 @!p2 $0x0  }
0x1d: {  	s5 =	simm.s32 @p1 $0x1;
	p0 =	seq.s32 s7, s2  }
0x1e: {  	s7 =	smul.u32 @!p0 $0xF7A, s2;
	p2 =	seq.s32 @!p0 s5, $0x0  }
0x1f: {  	s9 =	smul.u32 $0xF7A, s1;
	s8 =	simm.s32 @!p0 $0x1BF5;
	p2 =	por !p2, p0  }
0x20: {  	[sflag:s8] =	ssyncset.s32 @!p0 $0xFFFFF086;
	s6 =	sadd.s32 @!p0 s3, s7;
	s7 =	simm.s32 @!p0 $0x108  }
0x21: {  	s3 =	sadd.s32 s3, s9;
	s6 =	sadd.s32 @!p0 $0x88, s6;
	s7 =	simm.s32 @p2 $0x1082  }
0x22: {  	[simem:s7], [sflag:s8] =	dma.local @!p0 [hbm:s6], $0xF7A  }
0x23: {  	s9 =	sor.u32 $0xD0000000, s2;
	s6 =	simm.s32 $0x108;
	_ =	swait.ge @!p0 [sflag:s8], $0x0  }
0x24: {  	s3 =	sadd.s32 $0x88, s3;
	s6 =	simm.s32 @!p1 $0x1082;
	[sflag:s4] =	ssyncset.s32 $0xFFFFF086  }
0x25: {  	[simem:s6], [sflag:s4] =	dma.local [hbm:s3], $0xF7A  }
0x26: {  	[smem:$0x3F9C] =	sst s1;
	(tag) =	ssettag s2;
	_ =	strace s9  }
0x27: {  	s1 =	sld [smem:$0x3FAC]  }
0x28: {  	s2 =	sld [smem:$0x3FAD]  }
0x29: {  	s4 =	sld [smem:$0x3FAF]  }
0x2a: {  	p0 =	seq.s32 s5, $0x0;
	s5 =	sld [smem:$0x3FB0]  }
0x2b: {  	s6 =	sld [smem:$0x3FB1]  }
0x2c: {  	s7 =	sld [smem:$0x3FB2]  }
0x2d: {  	s3 =	simm.s32 $0x108;
	s8 =	sld [smem:$0x3FB3]  }
0x2e: {  	s3 =	simm.s32 @!p0 $0x1082;
	s9 =	sld [smem:$0x3FB4]  }
0x2f: {  	lr =	sadd.s32 s0, s3;
	s0 =	sld [smem:$0x3FAB]  }
0x30: {  	s3 =	sld [smem:$0x3FAE]  }
0x31: {  	[smem:$0x3FB7] =	sst s10  }
0x32: {  	s10 =	sld [smem:$0x3FB5];
	_ =	sdelay $0x3  }
0x33: {  	p0 =	seq.s32 s10, $0x1;
	s10 =	sld [smem:$0x3FB7];
	_ =	sdelay $0x3  }
0x34: {  	[smem:$0x3FB7] =	sst s10  }
0x35: {  	s10 =	sld [smem:$0x3FB6];
	_ =	sdelay $0x3  }
0x36: {  	p1 =	seq.s32 s10, $0x1;
	s10 =	sld [smem:$0x3FB7];
	_ =	sdelay $0x3  }
0x37: {  	[smem:$0x3FB7] =	sst s10  }
0x38: {  	s10 =	sld [smem:$0x3FB8]  }
0x39: {  	_ = 	snop;
	(pc) =	sbr.ind lr, $3  }
0x3a: {  	_ = 	snop  }
0x3b: {  	_ = 	snop  }
0x3c: {  	p2 =	seq.s32 s10, $0x1;
	s10 =	sld [smem:$0x3FB7]  }
0x3d: {  	_ =	shalt  }
0x3e: {  	_ =	shalt  }
0x3f: {  	_ =	shalt  }
0x40: {  	_ =	shalt  }
0x41: {  	_ =	shalt  }
0x42: {  	_ =	shalt  }
0x43: {  	_ =	shalt  }
0x44: {  	_ =	shalt  }
0x45: {  	_ =	shalt  }
0x46: {  	_ =	shalt  }
0x47: {  	_ =	shalt  }
0x48: {  	_ =	shalt  }
0x49: {  	_ =	shalt  }
0x4a: {  	_ =	shalt  }
0x4b: {  	_ =	shalt  }
0x4c: {  	_ =	shalt  }
0x4d: {  	_ =	shalt  }
0x4e: {  	_ =	shalt  }
0x4f: {  	_ =	shalt  }
0x50: {  	_ =	shalt  }
0x51: {  	_ =	shalt  }
0x52: {  	_ =	shalt  }
0x53: {  	_ =	shalt  }
0x54: {  	_ =	shalt  }
0x55: {  	_ =	shalt  }
0x56: {  	_ =	shalt  }
0x57: {  	_ =	shalt  }
0x58: {  	_ =	shalt  }
0x59: {  	_ =	shalt  }
0x5a: {  	_ =	shalt  }
0x5b: {  	_ =	shalt  }
0x5c: {  	_ =	shalt  }
0x5d: {  	_ =	shalt  }
0x5e: {  	_ =	shalt  }
0x5f: {  	_ =	shalt  }
0x60: {  	_ =	shalt  }
0x61: {  	_ =	shalt  }
0x62: {  	_ =	shalt  }
0x63: {  	_ =	shalt  }
0x64: {  	_ =	shalt  }
0x65: {  	_ =	shalt  }
0x66: {  	_ =	shalt  }
0x67: {  	_ =	shalt  }
0x68: {  	_ =	shalt  }
0x69: {  	_ =	shalt  }
0x6a: {  	_ =	shalt  }
0x6b: {  	_ =	shalt  }
0x6c: {  	_ =	shalt  }
0x6d: {  	_ =	shalt  }
0x6e: {  	_ =	shalt  }
0x6f: {  	_ =	shalt  }
0x70: {  	_ =	shalt  }
0x71: {  	_ =	shalt  }
0x72: {  	_ =	shalt  }
0x73: {  	_ =	shalt  }
0x74: {  	_ =	shalt  }
0x75: {  	_ =	shalt  }
0x76: {  	_ =	shalt  }
0x77: {  	_ =	shalt  }
0x78: {  	_ =	shalt  }
0x79: {  	_ =	shalt  }
0x7a: {  	_ =	shalt  }
0x7b: {  	_ =	shalt  }
0x7c: {  	_ =	shalt  }
0x7d: {  	_ =	shalt  }
0x7e: {  	_ =	shalt  }
0x7f: {  	_ =	shalt  }
0x80: {  	_ =	shalt  }
0x81: {  	_ =	shalt  }
0x82: {  	_ =	shalt  }
0x83: {  	_ =	shalt  }
0x84: {  	_ =	shalt  }
0x85: {  	_ =	shalt  }
0x86: {  	_ =	shalt  }
0x87: {  	_ =	shalt  }
.Lfunc_end0:
.L_simem_size_0:
called_computation.1_lowered:
.L_overlay_start_0:
0x88: {  	s2 =	sld [smem:$0x3FD9]  }
0x89: {  	s3 =	sld [smem:$0x3FFE];
	_ =	sdelay $0x1  }
0x8a: {  	s1 =	srdreg.scid  }
0x8b: {  	s0 =	sand.u32 $0x1, s1  }
0x8c: {  	s14 =	sshll.u32 s0, $0xA;
	s2 =	sadd.s32 s3, s2  }
0x8d: {  	s2 =	sadd.s32 s2, s14  }
0x8e: {  	[smem:$0x3FC3] =	sst s2  }
0x8f: {  	_ = 	snop  }
0x90: {  	s2 =	sld [smem:$0x3FD0];
	_ =	sdelay $0x2  }
0x91: {  	s15 =	simm.s32 $0xA;
	s4 =	simm.s32 $0x10  }
0x92: {  	[smem:s4], [sflag:s15] =	dma.local [hbm:s2], $0x1  }
0x93: {  	_ =	swait.eq [sflag:s15], $0x1  }
0x94: {  	[sflag:s15] =	ssyncset.done $0x0  }
0x95: {  	[sflag:s15] =	ssyncadd.s32 $0xFFFFFFFF  }
0x96: {  	s16 =	sld [smem:$0x10];
	(tm) =	ssettm $0x1  }
0x97: {  	s17 =	sld [smem:$0x3FFB];
	_ =	sdelay $0x3  }
0x98: {  	_ =	strace s17  }
0x99: {  	s3 =	sld [smem:$0x3FFC];
	_ =	sdelay $0x3  }
0x9a: {  	_ =	strace s3  }
0x9b: {  	s3 =	sld [smem:$0x3FFD];
	_ =	sdelay $0x3  }
0x9c: {  	_ =	strace s3  }
0x9d: {  	_ =	strace $0x8FFFFFFF  }
0x9e: {  	s18 =	sld [smem:$0x3FDB];
	_ =	sdelay $0x1  }
0x9f: {  	s19 =	simm.s32 $_scs_section_size  }
0xa0: {  	s5 =	simm.s32 $_size__tile_overlayer_lowered;
	s6 =	simm.s32 $_tile_overlayer_lowered  }
0xa1: {  	s22 =	simm.s32 $0x1BFF;
	s21 =	sshll.u32 s6, $0x1;
	s3 =	sadd.s32 s19, s18  }
0xa2: {  	s7 =	simm.s32 $0x0;
	s20 =	sshll.u32 s5, $0x1;
	s5 =	sadd.s32 s21, s3  }
0xa3: {  	[timem:s7], [sflag:s22] =	dma.local [hbm:s5], s20  }
0xa4: {  	_ =	swait.ge [sflag:s22], s20  }
0xa5: {  	s4 =	ssub.s32 $0x0, s20;
	[sflag:s22] =	ssyncset.done $0x0  }
0xa6: {  	[sflag:s22] =	ssyncadd.s32 s4;
	_ =	sdelay $0x1  }
0xa7: {  	s23 =	simm.s32 $0x1B8B  }
0xa8: {  	_ =	swait.ge [sflag:s23], $0x1  }
0xa9: {  	[sflag:s23] =	ssyncset.done $0x0  }
0xaa: {  	s25 =	simm.s32 $0x1B8E;
	s24 =	sld [smem:$0x3FFE];
	[sflag:s23] =	ssyncadd.s32 $0xFFFFFFFF  }
0xab: {  	s26 =	simm.s32 $execute0_lowered;
	[smem:$0x3FD2] =	sst s25  }
0xac: {  	s5 =	sshll.u32 s26, $0x1;
	_ =	strace $0x80000049;
	[dreg:$0x1] =	wrdreg $0xFFFFFFFF  }
0xad: {  	s28 =	simm.s32 $_size_execute0_lowered;
	s3 =	sadd.s32 s3, s5;
	[dreg:$0x0] =	wrdreg $0x0  }
0xae: {  	s5 =	sshll.u32 s28, $0x1;
	[dreg:$0x2] =	wrdreg s3  }
0xaf: {  	[dreg:$0x3] =	wrdreg s5  }
0xb0: {  	[dreg:$0x4] =	wrdreg $0xC0  }
0xb1: {  	_ =	task [dreg:s7], $0x5FFFF  }
0xb2: {  	[dreg:$0x1] =	wrdreg $0xFFFFFFFF  }
0xb3: {  	[dreg:$0x0] =	wrdreg $0x60  }
0xb4: {  	[dreg:$0x2] =	wrdreg s24  }
0xb5: {  	[dreg:$0x3] =	wrdreg s16  }
0xb6: {  	[dreg:$0x4] =	wrdreg $0x9  }
0xb7: {  	_ =	task.clear_ibuf [dreg:s7], $0x5FFFF;
	_ =	strace $0x90000049  }
0xb8: {  	s29 =	simm.s32 $0x9;
	_ =	strace $0x8000004B  }
0xb9: {  	_ =	swait.ge [sflag:s29], $0x1  }
0xba: {  	[sflag:s29] =	ssyncadd.s32 $0xFFFFFFFF  }
0xbb: {  	_ =	strace $0x9000004B  }
0xbc: {  	_ =	sfence  }
0xbd: {  	s30 =	sld [smem:$0x0];
	_ =	sdelay $0x2  }
0xbe: {  	s31 =	sshll.u32 s1, $0xD;
	s1 =	sshrl.u32 s1, $0x2  }
0xbf: {  	s3 =	sand.u32 $0x4000, s31;
	s1 =	sadd.s32 s1, s30  }
0xc0: {  	s0 =	sor.u32 s3, s0;
	s1 =	sshll.u32 s1, $0x11  }
0xc1: {  	s0 =	sor.u32 s1, s0  }
0xc2: {  	s0 =	sadd.s32 $0x8F2B, s0  }
0xc3: {  	[sflag:s0] =	ssyncadd.remote.s32 $0x1  }
0xc4: {  	_ =	sfence.sel $0xFFFF  }
0xc5: {  	[dreg:$0x0] =	wrdreg $0xFFFFFFFF;
	(pc) =	sbr.abs _section_cstart, $3  }
0xc6: {  	[dreg:$0x1] =	wrdreg $0xFFFFFFFF  }
0xc7: {  	_ =	task.clear_ibuf [dreg:s7], $0x2FFFF;
	_ =	strace $0x9FFFFFFF  }
0xc8: {  	(tm) =	ssettm $0x7FFFFFFF  }
0xc9: {  	_ =	shalt  }
tec
execute0_lowered:
.L_overlay_start_1:
0x0: {  	(tag) =	ssettag $0x1  }
0x1: {  	s0 =	rddreg [dreg:$0x0]  }
0x2: {  	s5 =	rddreg [dreg:$0x1];
	s3 =	srdreg.scid  }
0x3: {  	s2 =	simm.s32 $0x0;
	s1 =	stileid.u32;
	s26 =	simm.s32 $0x880  }
0x4: {  	s10 =	simm.s32 $0x1880;
	s11 =	simm.s32 $0x2080;
	s12 =	simm.s32 $0x2880  }
0x5: {  	s13 =	simm.s32 $0x3080;
	s14 =	simm.s32 $0x3880;
	s15 =	simm.s32 $0x4080  }
0x6: {  	s16 =	simm.s32 $0x4880;
	s17 =	simm.s32 $0x5080;
	s18 =	simm.s32 $0x5880  }
0x7: {  	s19 =	simm.s32 $0x6080;
	s20 =	simm.s32 $0x6880;
	s21 =	simm.s32 $0x7080  }
0x8: {  	s22 =	simm.s32 $0x7880;
	s28 =	simm.s32 $0xA080;
	s29 =	simm.s32 $0xA880  }
0x9: {  	s30 =	simm.s32 $0xB080;
	s31 =	simm.s32 $0xB880;
	s3 =	sand.u32 $0x1, s3  }
0xa: {  	[smem:$0x7FF] =	sst s2;
	s4 =	sshll.u32 s1, $0x4;
	s6 =	sshll.u32 s3, $0x3  }
0xb: {  	_ =	strace $0x8000004A;
	s23 =	ssub.s32 $0x2, s3;
	s3 =	sadd.s32 $0x1400, s0  }
0xc: {  	[dreg:$0x5] =	wrdreg s26;
	s26 =	simm.s32 $0x9880;
	s4 =	sor.u32 s6, s4  }
0xd: {  	s8 =	sshrl.u32 s23, $0x1;
	s7 =	sadd.s32 s4, s0;
	s9 =	smul.u32 $0x300, s4  }
0xe: {  	s6 =	ssub.s32 s23, s8;
	s4 =	sadd.s32 $0x1500, s0;
	s8 =	simm.s32 $0x80  }
0xf: {  	s23 =	simm.s32 $0x8080;
	s24 =	sadd.s32 $0x1200, s7;
	s6 =	smax.u32 s6, $0x1  }
0x10: {  	v2 =	vlaneseq.u32;
	s7 =	simm.s32 $0x1;
	[dreg:$0x3] =	wrdreg s24;
	s25 =	sadd.s32 s5, s9  }
0x11: {  	vm0 =	vmmov $0xffff;
	v1 =	vshrl.u32 v2, $0x3;
	s5 =	sadd.s32 $0x1600, s0;
	s9 =	simm.s32 $0x1080;
	s24 =	simm.s32 $0x8880  }
0x12: {  	v0 =	vand.u32 $0x7, v2;
	v2 =	vor.u32 $0x8, v2;
	v1 =	vmul.u32 $0x8, v1;
	s0 =	simm.s32 $0x2;
	[dreg:$0x4] =	wrdreg s25;
	s25 =	simm.s32 $0x9080  }
.LBB2_1:
0x13: {  	s1 =	rddreg [dreg:$0x3]  }
0x14: {  	[tilespmem:s2], [sflag:$0x1] =	stream.linear.gather [hbm4b:s1+s2], $0x40, $0x38;
	[tilespmem:$0xC080] =	vst v63  }
0x15: {  	_ =	swait.ge [sflag:s7], $0x40  }
0x16: {  	[sflag:s7] =	ssyncset.done $0x0  }
0x17: {  	[sflag:s7] =	ssyncadd.s32 $0xFFFFFFC0  }
0x18: {  	v3 =	vld [tilespmem:$0x0];
	_ =	sdelay $0x4  }
0x19: {  	v4 =	vshrl.u32 v3, $0x3  }
0x1a: {  	v4 =	vmul.u32 $0x30, v4  }
0x1b: {  	v3 =	vand.u32 $0x7, v3  }
0x1c: {  	v3 =	vor.u32 v3, v4  }
0x1d: {  	v4 =	vperm.xlane v3, v0;
	_ =	sdelay $0x1  }
0x1e: {  	v4 =	vadd.s32 v1, v4;
	_ =	sdelay $0x3  }
0x1f: {  	v3 =	vperm.xlane v3, v2  }
0x20: {  	[tilespmem:s8], [sflag:$0x1] =	stream.indirect_vreg.gather [hbm4b:s3+s2], $0x80, v4, vm0, $0xb8;
	[tilespmem:$0xC080] =	vst v63  }
0x21: {  	s1 =	rddreg [dreg:$0x5];
	v3 =	vadd.s32 v1, v3  }
0x22: {  	[tilespmem:s1], [sflag:$0x1] =	stream.indirect_vreg.gather [hbm4b:s4+s2], $0x80, v4, vm0, $0xb8;
	[tilespmem:$0xC080] =	vst v63  }
0x23: {  	_ = 	snop  }
0x24: {  	[tilespmem:s9], [sflag:$0x1] =	stream.indirect_vreg.gather [hbm4b:s5+s2], $0x80, v4, vm0, $0xb8;
	[tilespmem:$0xC080] =	vst v63  }
0x25: {  	_ = 	snop  }
0x26: {  	[tilespmem:s10], [sflag:$0x1] =	stream.indirect_vreg.gather [hbm4b:s3+s2], $0x80, v3, vm0, $0xb8;
	[tilespmem:$0xC080] =	vst v63  }
0x27: {  	_ = 	snop  }
0x28: {  	[tilespmem:s11], [sflag:$0x1] =	stream.indirect_vreg.gather [hbm4b:s4+s2], $0x80, v3, vm0, $0xb8;
	[tilespmem:$0xC080] =	vst v63  }
0x29: {  	_ = 	snop  }
0x2a: {  	[tilespmem:s12], [sflag:$0x1] =	stream.indirect_vreg.gather [hbm4b:s5+s2], $0x80, v3, vm0, $0xb8;
	[tilespmem:$0xC080] =	vst v63  }
0x2b: {  	v3 =	vld [tilespmem:$0x10];
	_ =	sdelay $0x4  }
0x2c: {  	v61 =	vshrl.u32 v3, $0x3  }
0x2d: {  	v4 =	vmul.u32 $0x30, v61  }
0x2e: {  	v3 =	vand.u32 $0x7, v3  }
0x2f: {  	v3 =	vor.u32 v3, v4  }
0x30: {  	v4 =	vperm.xlane v3, v0;
	_ =	sdelay $0x1  }
0x31: {  	v4 =	vadd.s32 v1, v4;
	_ =	sdelay $0x3  }
0x32: {  	v3 =	vperm.xlane v3, v2  }
0x33: {  	[tilespmem:s13], [sflag:$0x1] =	stream.indirect_vreg.gather [hbm4b:s3+s2], $0x80, v4, vm0, $0xb8;
	[tilespmem:$0xC080] =	vst v63  }
0x34: {  	v3 =	vadd.s32 v1, v3  }
0x35: {  	[tilespmem:s14], [sflag:$0x1] =	stream.indirect_vreg.gather [hbm4b:s4+s2], $0x80, v4, vm0, $0xb8;
	[tilespmem:$0xC080] =	vst v63  }
0x36: {  	_ = 	snop  }
0x37: {  	[tilespmem:s15], [sflag:$0x1] =	stream.indirect_vreg.gather [hbm4b:s5+s2], $0x80, v4, vm0, $0xb8;
	[tilespmem:$0xC080] =	vst v63  }
0x38: {  	_ = 	snop  }
0x39: {  	[tilespmem:s16], [sflag:$0x1] =	stream.indirect_vreg.gather [hbm4b:s3+s2], $0x80, v3, vm0, $0xb8;
	[tilespmem:$0xC080] =	vst v63  }
0x3a: {  	_ = 	snop  }
0x3b: {  	[tilespmem:s17], [sflag:$0x1] =	stream.indirect_vreg.gather [hbm4b:s4+s2], $0x80, v3, vm0, $0xb8;
	[tilespmem:$0xC080] =	vst v63  }
0x3c: {  	_ = 	snop  }
0x3d: {  	[tilespmem:s18], [sflag:$0x1] =	stream.indirect_vreg.gather [hbm4b:s5+s2], $0x80, v3, vm0, $0xb8;
	[tilespmem:$0xC080] =	vst v63  }
0x3e: {  	v3 =	vld [tilespmem:$0x20];
	_ =	sdelay $0x4  }
0x3f: {  	v62 =	vshrl.u32 v3, $0x3  }
0x40: {  	v4 =	vmul.u32 $0x30, v62  }
0x41: {  	v3 =	vand.u32 $0x7, v3  }
0x42: {  	v3 =	vor.u32 v3, v4  }
0x43: {  	v4 =	vperm.xlane v3, v0;
	_ =	sdelay $0x1  }
0x44: {  	v4 =	vadd.s32 v1, v4;
	_ =	sdelay $0x3  }
0x45: {  	v3 =	vperm.xlane v3, v2  }
0x46: {  	[tilespmem:s19], [sflag:$0x1] =	stream.indirect_vreg.gather [hbm4b:s3+s2], $0x80, v4, vm0, $0xb8;
	[tilespmem:$0xC080] =	vst v63  }
0x47: {  	v3 =	vadd.s32 v1, v3  }
0x48: {  	[tilespmem:s20], [sflag:$0x1] =	stream.indirect_vreg.gather [hbm4b:s4+s2], $0x80, v4, vm0, $0xb8;
	[tilespmem:$0xC080] =	vst v63  }
0x49: {  	_ = 	snop  }
0x4a: {  	[tilespmem:s21], [sflag:$0x1] =	stream.indirect_vreg.gather [hbm4b:s5+s2], $0x80, v4, vm0, $0xb8;
	[tilespmem:$0xC080] =	vst v63  }
0x4b: {  	_ = 	snop  }
0x4c: {  	[tilespmem:s22], [sflag:$0x1] =	stream.indirect_vreg.gather [hbm4b:s3+s2], $0x80, v3, vm0, $0xb8;
	[tilespmem:$0xC080] =	vst v63  }
0x4d: {  	_ = 	snop  }
0x4e: {  	[tilespmem:s23], [sflag:$0x1] =	stream.indirect_vreg.gather [hbm4b:s4+s2], $0x80, v3, vm0, $0xb8;
	[tilespmem:$0xC080] =	vst v63  }
0x4f: {  	_ = 	snop  }
0x50: {  	[tilespmem:s24], [sflag:$0x1] =	stream.indirect_vreg.gather [hbm4b:s5+s2], $0x80, v3, vm0, $0xb8;
	[tilespmem:$0xC080] =	vst v63  }
0x51: {  	v3 =	vld [tilespmem:$0x30];
	_ =	sdelay $0x4  }
0x52: {  	v63 =	vshrl.u32 v3, $0x3  }
0x53: {  	v4 =	vmul.u32 $0x30, v63  }
0x54: {  	v3 =	vand.u32 $0x7, v3  }
0x55: {  	v3 =	vor.u32 v3, v4  }
0x56: {  	v4 =	vperm.xlane v3, v0;
	_ =	sdelay $0x1  }
0x57: {  	v4 =	vadd.s32 v1, v4;
	_ =	sdelay $0x3  }
0x58: {  	v3 =	vperm.xlane v3, v2  }
0x59: {  	[tilespmem:s25], [sflag:$0x1] =	stream.indirect_vreg.gather [hbm4b:s3+s2], $0x80, v4, vm0, $0xb8;
	[tilespmem:$0xC080] =	vst v63  }
0x5a: {  	v3 =	vadd.s32 v1, v3  }
0x5b: {  	[tilespmem:s26], [sflag:$0x1] =	stream.indirect_vreg.gather [hbm4b:s4+s2], $0x80, v4, vm0, $0xb8;
	[tilespmem:$0xC080] =	vst v63  }
0x5c: {  	_ = 	snop  }
0x5d: {  	[tilespmem:s28], [sflag:$0x1] =	stream.indirect_vreg.gather [hbm4b:s5+s2], $0x80, v4, vm0, $0xb8;
	[tilespmem:$0xC080] =	vst v63  }
0x5e: {  	_ = 	snop  }
0x5f: {  	[tilespmem:s29], [sflag:$0x1] =	stream.indirect_vreg.gather [hbm4b:s3+s2], $0x80, v3, vm0, $0xb8;
	[tilespmem:$0xC080] =	vst v63  }
0x60: {  	_ = 	snop  }
0x61: {  	[tilespmem:s30], [sflag:$0x1] =	stream.indirect_vreg.gather [hbm4b:s4+s2], $0x80, v3, vm0, $0xb8;
	[tilespmem:$0xC080] =	vst v63  }
0x62: {  	_ = 	snop  }
0x63: {  	[tilespmem:s31], [sflag:$0x1] =	stream.indirect_vreg.gather [hbm4b:s5+s2], $0x80, v3, vm0, $0xb8;
	[tilespmem:$0xC080] =	vst v63  }
0x64: {  	_ =	swait.ge [sflag:s7], $0x3000  }
0x65: {  	[sflag:s7] =	ssyncset.done $0x0  }
0x66: {  	[sflag:s7] =	ssyncadd.s32 $0xFFFFD000  }
0x67: {  	_ =	swait.ge [sflag:s7], $0x3000  }
0x68: {  	[sflag:s7] =	ssyncset.done $0x0  }
0x69: {  	[sflag:s7] =	ssyncadd.s32 $0xFFFFD000  }
0x6a: {  	_ =	swait.ge [sflag:s7], $0x3000  }
0x6b: {  	[sflag:s7] =	ssyncset.done $0x0  }
0x6c: {  	[sflag:s7] =	ssyncadd.s32 $0xFFFFD000  }
0x6d: {  	_ =	swait.ge [sflag:s7], $0x3000  }
0x6e: {  	p0 =	sne.s32 s6, $0x1;
	[sflag:s7] =	ssyncset.done $0x0  }
.Ltmp0:
0x6f: {  	s1 =	rddreg [dreg:$0x4];
	[sflag:s7] =	ssyncadd.s32 $0xFFFFD000;
	(pc) =	sbr.rel @p0 .LBB2_1-.Ltmp0, $4  }
0x70: {  	[hbm4b:s1+s2] =	stream.linear.scatter [tilespmem:s8], [sflag:$0x2], $0xC000, $0x38;
	[tilespmem:$0xC080] =	vst v63  }
0x71: {  	_ =	swait.ge [sflag:s0], $0xC000  }
0x72: {  	[sflag:s0] =	ssyncset.done $0x0  }
0x73: {  	s6 =	sadd.s32 $0xFFFFFFFF, s6;
	[sflag:s0] =	ssyncadd.s32 $0xFFFF4000  }
0x74: {  	_ =	sfence.sel $0x180000  }
0x75: {  	[bflag:$0x0] =	sbarrier.arrive $0xFFFF  }
0x76: {  	_ =	strace $0x9000004A  }
0x77: {  	s0 =	stileid.u32;
	[bflag:$0x2] =	sbarrier.arrive $0xFFFF  }
0x78: {  	p0 =	sne.s32 s0, $0x0;
	s0 =	rddreg [dreg:$0x2]  }
0x79: {  	s0 =	sadd.s32 @!p0 $0x100000, s0  }
0x7a: {  	[sflag:s0] =	ssyncadd.tile.s32 @!p0 $0x1;
	_ =	shalt  }
.Lfunc_end2:
_tile_overlayer_lowered:
.L_overlay_start_2:
0x7b: {  	(tag) =	ssettag $0x2  }
0x7c: {  	s0 =	rddreg [dreg:$0x0];
	s2 =	stileid.u32  }
0x7d: {  	s1 =	rddreg [dreg:$0x1];
	p0 =	sne.s32 s2, $0x0  }
0x7e: {  	s3 =	rddreg [dreg:$0x2];
	[bflag:$0x3] =	sbarrier.arrive $0xFFFF;
	s2 =	simm.s32 @!p0 $0x1C02  }
0x7f: {  	[timem:s3], [sflag:s2] =	dma.local @!p0 [hbm:s0], s1  }
0x80: {  	s0 =	simm.s32 @!p0 $0x2  }
0x81: {  	_ =	swait.ge @!p0 [sflag:s0], s1  }
0x82: {  	s1 =	ssub.s32 @!p0 $0x0, s1;
	[sflag:s0] =	ssyncset.done @!p0 $0x0  }
0x83: {  	[sflag:s0] =	ssyncadd.s32 @!p0 s1  }
0x84: {  	[bflag:$0x3] =	sbarrier.arrive $0xFFFF  }
0x85: {  	_ =	shalt  }

</sc_bundles>
